<compile_context>
chip_gen: v7x
topology: tpu7x:2x2x1
jax: 0.10.2.dev20260603
libtpu: 0.0.44.dev20260713+nightly
codegen_flags: <defaults>
</compile_context>

<pallas_src>
import jax
import jax.numpy as jnp
from jax import lax
from jax.experimental import pallas as pl
from jax.experimental.pallas import tpu as pltpu
from jax.experimental.pallas import tpu_sc as plsc

VOCAB = 100000
HIDDEN = 128
MAXLEN = 2048
BATCH = 4
SEQ = 2048

NC = 2
NS = 16
NW = NC * NS
ROWS = BATCH * SEQ
PPW = SEQ // NW
RPW = BATCH * PPW
NCH = HIDDEN // 16


def _body(x_hbm, segm_hbm, tok_hbm, segtab_hbm, pos_hbm, out_hbm,
          idx_v, segm_v, pos_v, add_v, segtab_v,
          sem_g0, sem_g1, sem_g2, sem_g3, sem_in, sem_o):
    sems = (sem_g0, sem_g1, sem_g2, sem_g3)
    wid = lax.axis_index("s") * NC + lax.axis_index("c")
    pos_base = wid * PPW

    in_copies = [
        pltpu.async_copy(x_hbm.at[wid], idx_v, sem_in),
        pltpu.async_copy(segm_hbm.at[wid], segm_v, sem_in),
        pltpu.async_copy(segtab_hbm, segtab_v, sem_in),
        pltpu.async_copy(pos_hbm.at[pl.ds(pos_base, PPW)], pos_v, sem_in),
    ]
    for ic in in_copies:
        ic.wait()

    seg0 = [segtab_v[0, pl.ds(c * 16, 16)] for c in range(NCH)]
    diff = [segtab_v[1, pl.ds(c * 16, 16)] - seg0[c] for c in range(NCH)]

    gathers = []
    for b in range(BATCH):
        @plsc.parallel_loop(0, PPW, unroll=2)
        def addend_row(p):
            r = b * PPW + p
            mv = segm_v[r, :]
            for c in range(NCH):
                sl = pl.ds(c * 16, 16)
                add_v[r, sl] = pos_v[p, sl] + (seg0[c] + mv * diff[c])

        gathers.append(
            pltpu.async_copy(tok_hbm.at[idx_v.at[b]],
                             add_v.at[pl.ds(b * PPW, PPW)], sems[b],
                             add=True))

    out_copies = []
    for b in range(BATCH):
        gathers[b].wait()
        out_copies.append(
            pltpu.async_copy(add_v.at[pl.ds(b * PPW, PPW)],
                             out_hbm.at[pl.ds(b * SEQ + pos_base, PPW)],
                             sem_o))
    for oc in out_copies:
        oc.wait()


@jax.jit
def _run(x4, segm, tok_table, seg_table, pos_table):
    mesh = plsc.VectorSubcoreMesh(core_axis_name="c", subcore_axis_name="s",
                                  num_cores=NC, num_subcores=NS)
    fn = pl.kernel(
        _body,
        out_type=jax.ShapeDtypeStruct((ROWS, HIDDEN), jnp.float32),
        mesh=mesh,
        scratch_types=[
            pltpu.VMEM((BATCH, PPW), jnp.int32),
            pltpu.VMEM((RPW, 16), jnp.float32),
            pltpu.VMEM((PPW, HIDDEN), jnp.float32),
            pltpu.VMEM((RPW, HIDDEN), jnp.float32),
            pltpu.VMEM((2, HIDDEN), jnp.float32),
            pltpu.SemaphoreType.DMA,
            pltpu.SemaphoreType.DMA,
            pltpu.SemaphoreType.DMA,
            pltpu.SemaphoreType.DMA,
            pltpu.SemaphoreType.DMA,
            pltpu.SemaphoreType.DMA,
        ],
    )
    return fn(x4, segm, tok_table, seg_table, pos_table)


def kernel(x, segment_ids, tok_table, seg_table, pos_table):
    x4 = x.reshape(BATCH, NW, PPW).transpose(1, 0, 2).astype(jnp.int32)
    segm = jnp.broadcast_to(
        segment_ids.reshape(BATCH, NW, PPW).transpose(1, 0, 2)
        .reshape(NW, RPW, 1).astype(jnp.float32), (NW, RPW, 16))
    out = _run(x4, segm, tok_table, seg_table, pos_table)
    return out.reshape(BATCH, SEQ, HIDDEN)

# --- scband reference (transcript-rebuilt; emitter-appended) ---
"""Pipeline reference for scband-bertembedding-10041633538091 (READ-ONLY COPY).

The authoritative reference and input builder live on the scoring server;
editing this copy changes nothing except your own understanding.
"""

import jax, jax.numpy as jnp
import numpy as np

VOCAB = 100000
HIDDEN = 128
MAXLEN = 2048
BATCH = 4
SEQ = 2048

def setup_inputs(seed: int = 0) -> dict:
    key = jax.random.key(seed)
    k1, k2, k3, k4, k5 = jax.random.split(key, 5)
    x = jax.random.randint(k1, (BATCH, SEQ), 0, VOCAB, dtype=jnp.int32).astype(jnp.int64)
    segment_ids = jax.random.randint(k2, (BATCH, SEQ), 0, 2, dtype=jnp.int32).astype(jnp.int64)
    tok_table = jax.random.normal(k3, (VOCAB, HIDDEN), dtype=jnp.float32) * 0.02
    seg_table = jax.random.normal(k4, (2, HIDDEN), dtype=jnp.float32) * 0.02
    pos_table = jax.random.normal(k5, (MAXLEN, HIDDEN), dtype=jnp.float32) * 0.02
    return {"x": x, "segment_ids": segment_ids, "tok_table": tok_table, "seg_table": seg_table, "pos_table": pos_table}

def reference(x, segment_ids, tok_table, seg_table, pos_table):
    # token embedding lookup
    tokens_embeddings = jnp.take(tok_table, x, axis=0)
    # segment embedding lookup
    segment_embeddings = jnp.take(seg_table, segment_ids, axis=0)
    # position embedding: range over seq dim, broadcast over batch
    position_ids = jnp.arange(x.shape[1], dtype=jnp.int32)[None, :]
    position_embeddings = jnp.take(pos_table, position_ids, axis=0)
    embeddings = tokens_embeddings + segment_embeddings + position_embeddings
    # dropout is identity in eval mode (training=False)
    return embeddings

if __name__ == "__main__":
    import jax
    _d = setup_inputs()
    print(jax.jit(kernel)(*tuple(_d.values())))

</pallas_src>

<mosaic_0001>
#map = affine_map<(d0, d1) -> (0, 0, 0)>
#map1 = affine_map<(d0, d1) -> (0, 0)>
module attributes {stable_mosaic.version = 14 : i64} {
  func.func @_body(%arg0: i32, %arg1: i32, %arg2: memref<32x4x64xi32, #tpu.memory_space<hbm>>, %arg3: memref<32x256x16xf32, #tpu.memory_space<hbm>>, %arg4: memref<100000x128xf32, #tpu.memory_space<hbm>>, %arg5: memref<2x128xf32, #tpu.memory_space<hbm>>, %arg6: memref<2048x128xf32, #tpu.memory_space<hbm>>, %arg7: memref<8192x128xf32, #tpu.memory_space<hbm>>, %arg8: memref<4x64xi32, #tpu.memory_space<vmem>>, %arg9: memref<256x16xf32, #tpu.memory_space<vmem>>, %arg10: memref<64x128xf32, #tpu.memory_space<vmem>>, %arg11: memref<256x128xf32, #tpu.memory_space<vmem>>, %arg12: memref<2x128xf32, #tpu.memory_space<vmem>>, %arg13: memref<!tpu.dma_semaphore, #tpu.memory_space<semaphore_mem>>, %arg14: memref<!tpu.dma_semaphore, #tpu.memory_space<semaphore_mem>>, %arg15: memref<!tpu.dma_semaphore, #tpu.memory_space<semaphore_mem>>, %arg16: memref<!tpu.dma_semaphore, #tpu.memory_space<semaphore_mem>>, %arg17: memref<!tpu.dma_semaphore, #tpu.memory_space<semaphore_mem>>, %arg18: memref<!tpu.dma_semaphore, #tpu.memory_space<semaphore_mem>>) attributes {dimension_semantics = [#tpu.dimension_semantics<core_parallel>, #tpu.dimension_semantics<subcore_parallel>], iteration_bounds = array<i64: 2, 16>, scalar_prefetch = 0 : i64, scratch_operands = 11 : i64, tpu.core_type = #tpu.core_type<sc_vector_subcore>, window_params = [{transform_indices = #map}, {transform_indices = #map}, {transform_indices = #map1}, {transform_indices = #map1}, {transform_indices = #map1}, {transform_indices = #map1}]} {
    %mul3A = arith.constant 2 : i32
    %mul3A_0 = arith.muli %arg1, %mul3A : i32
    %add3A = arith.addi %mul3A_0, %arg0 : i32
    %mul3A_1 = arith.constant 64 : i32
    %mul3A_2 = arith.muli %add3A, %mul3A_1 : i32
    %dma_start3A = arith.constant 0 : i32
    %dma_start3A_3 = arith.constant 0 : i32
    %dma_start3A_4 = tpu.memref_slice %arg2[%add3A, %dma_start3A, %dma_start3A_3] : memref<32x4x64xi32, #tpu.memory_space<hbm>> -> memref<1x4x64xi32, #tpu.memory_space<hbm>>
    %dma_start3A_5 = tpu.memref_squeeze %dma_start3A_4 : memref<1x4x64xi32, #tpu.memory_space<hbm>> -> memref<4x64xi32, #tpu.memory_space<hbm>>
    %dma_start3A_6 = arith.constant 0 : i32
    %dma_start3A_7 = arith.constant 0 : i32
    %dma_start3A_8 = tpu.memref_slice %arg2[%add3A, %dma_start3A_6, %dma_start3A_7] : memref<32x4x64xi32, #tpu.memory_space<hbm>> -> memref<1x4x64xi32, #tpu.memory_space<hbm>>
    %dma_start3A_9 = tpu.memref_squeeze %dma_start3A_8 : memref<1x4x64xi32, #tpu.memory_space<hbm>> -> memref<4x64xi32, #tpu.memory_space<hbm>>
    tpu.enqueue_dma source(%dma_start3A_9 : memref<4x64xi32, #tpu.memory_space<hbm>>) target(%arg8 : memref<4x64xi32, #tpu.memory_space<vmem>>) target_semaphore(%arg17 : memref<!tpu.dma_semaphore, #tpu.memory_space<semaphore_mem>>)
    %dma_start3A_10 = arith.constant 0 : i32
    %dma_start3A_11 = arith.constant 0 : i32
    %dma_start3A_12 = tpu.memref_slice %arg3[%add3A, %dma_start3A_10, %dma_start3A_11] : memref<32x256x16xf32, #tpu.memory_space<hbm>> -> memref<1x256x16xf32, #tpu.memory_space<hbm>>
    %dma_start3A_13 = tpu.memref_squeeze %dma_start3A_12 : memref<1x256x16xf32, #tpu.memory_space<hbm>> -> memref<256x16xf32, #tpu.memory_space<hbm>>
    %dma_start3A_14 = arith.constant 0 : i32
    %dma_start3A_15 = arith.constant 0 : i32
    %dma_start3A_16 = tpu.memref_slice %arg3[%add3A, %dma_start3A_14, %dma_start3A_15] : memref<32x256x16xf32, #tpu.memory_space<hbm>> -> memref<1x256x16xf32, #tpu.memory_space<hbm>>
    %dma_start3A_17 = tpu.memref_squeeze %dma_start3A_16 : memref<1x256x16xf32, #tpu.memory_space<hbm>> -> memref<256x16xf32, #tpu.memory_space<hbm>>
    tpu.enqueue_dma source(%dma_start3A_17 : memref<256x16xf32, #tpu.memory_space<hbm>>) target(%arg9 : memref<256x16xf32, #tpu.memory_space<vmem>>) target_semaphore(%arg17 : memref<!tpu.dma_semaphore, #tpu.memory_space<semaphore_mem>>)
    tpu.enqueue_dma source(%arg5 : memref<2x128xf32, #tpu.memory_space<hbm>>) target(%arg12 : memref<2x128xf32, #tpu.memory_space<vmem>>) target_semaphore(%arg17 : memref<!tpu.dma_semaphore, #tpu.memory_space<semaphore_mem>>)
    %dma_start3A_18 = arith.constant 0 : i32
    %dma_start3A_19 = tpu.memref_slice %arg6[%mul3A_2, %dma_start3A_18] : memref<2048x128xf32, #tpu.memory_space<hbm>> -> memref<64x128xf32, #tpu.memory_space<hbm>>
    %dma_start3A_20 = arith.constant 0 : i32
    %dma_start3A_21 = tpu.memref_slice %arg6[%mul3A_2, %dma_start3A_20] : memref<2048x128xf32, #tpu.memory_space<hbm>> -> memref<64x128xf32, #tpu.memory_space<hbm>>
    tpu.enqueue_dma source(%dma_start3A_21 : memref<64x128xf32, #tpu.memory_space<hbm>>) target(%arg10 : memref<64x128xf32, #tpu.memory_space<vmem>>) target_semaphore(%arg17 : memref<!tpu.dma_semaphore, #tpu.memory_space<semaphore_mem>>)
    %dma_wait3A = arith.constant 0 : i32
    %dma_wait3A_22 = arith.constant 0 : i32
    %dma_wait3A_23 = tpu.memref_slice %arg2[%add3A, %dma_wait3A, %dma_wait3A_22] : memref<32x4x64xi32, #tpu.memory_space<hbm>> -> memref<1x4x64xi32, #tpu.memory_space<hbm>>
    %dma_wait3A_24 = tpu.memref_squeeze %dma_wait3A_23 : memref<1x4x64xi32, #tpu.memory_space<hbm>> -> memref<4x64xi32, #tpu.memory_space<hbm>>
    %dma_wait3A_25 = arith.constant 0 : i32
    %dma_wait3A_26 = arith.constant 0 : i32
    %dma_wait3A_27 = tpu.memref_slice %arg2[%add3A, %dma_wait3A_25, %dma_wait3A_26] : memref<32x4x64xi32, #tpu.memory_space<hbm>> -> memref<1x4x64xi32, #tpu.memory_space<hbm>>
    %dma_wait3A_28 = tpu.memref_squeeze %dma_wait3A_27 : memref<1x4x64xi32, #tpu.memory_space<hbm>> -> memref<4x64xi32, #tpu.memory_space<hbm>>
    tpu.wait_dma2 semaphore(%arg17 : memref<!tpu.dma_semaphore, #tpu.memory_space<semaphore_mem>>) src(%dma_wait3A_28 : memref<4x64xi32, #tpu.memory_space<hbm>>) dst(%arg8 : memref<4x64xi32, #tpu.memory_space<vmem>>)
    %dma_wait3A_29 = arith.constant 0 : i32
    %dma_wait3A_30 = arith.constant 0 : i32
    %dma_wait3A_31 = tpu.memref_slice %arg3[%add3A, %dma_wait3A_29, %dma_wait3A_30] : memref<32x256x16xf32, #tpu.memory_space<hbm>> -> memref<1x256x16xf32, #tpu.memory_space<hbm>>
    %dma_wait3A_32 = tpu.memref_squeeze %dma_wait3A_31 : memref<1x256x16xf32, #tpu.memory_space<hbm>> -> memref<256x16xf32, #tpu.memory_space<hbm>>
    %dma_wait3A_33 = arith.constant 0 : i32
    %dma_wait3A_34 = arith.constant 0 : i32
    %dma_wait3A_35 = tpu.memref_slice %arg3[%add3A, %dma_wait3A_33, %dma_wait3A_34] : memref<32x256x16xf32, #tpu.memory_space<hbm>> -> memref<1x256x16xf32, #tpu.memory_space<hbm>>
    %dma_wait3A_36 = tpu.memref_squeeze %dma_wait3A_35 : memref<1x256x16xf32, #tpu.memory_space<hbm>> -> memref<256x16xf32, #tpu.memory_space<hbm>>
    tpu.wait_dma2 semaphore(%arg17 : memref<!tpu.dma_semaphore, #tpu.memory_space<semaphore_mem>>) src(%dma_wait3A_36 : memref<256x16xf32, #tpu.memory_space<hbm>>) dst(%arg9 : memref<256x16xf32, #tpu.memory_space<vmem>>)
    tpu.wait_dma2 semaphore(%arg17 : memref<!tpu.dma_semaphore, #tpu.memory_space<semaphore_mem>>) src(%arg5 : memref<2x128xf32, #tpu.memory_space<hbm>>) dst(%arg12 : memref<2x128xf32, #tpu.memory_space<vmem>>)
    %dma_wait3A_37 = arith.constant 0 : i32
    %dma_wait3A_38 = tpu.memref_slice %arg6[%mul3A_2, %dma_wait3A_37] : memref<2048x128xf32, #tpu.memory_space<hbm>> -> memref<64x128xf32, #tpu.memory_space<hbm>>
    %dma_wait3A_39 = arith.constant 0 : i32
    %dma_wait3A_40 = tpu.memref_slice %arg6[%mul3A_2, %dma_wait3A_39] : memref<2048x128xf32, #tpu.memory_space<hbm>> -> memref<64x128xf32, #tpu.memory_space<hbm>>
    tpu.wait_dma2 semaphore(%arg17 : memref<!tpu.dma_semaphore, #tpu.memory_space<semaphore_mem>>) src(%dma_wait3A_40 : memref<64x128xf32, #tpu.memory_space<hbm>>) dst(%arg10 : memref<64x128xf32, #tpu.memory_space<vmem>>)
    %get3A = arith.constant 0 : i32
    %get3A_41 = arith.index_cast %get3A : i32 to index
    %get3A_42 = arith.constant 0 : index
    %get3A_43 = tpu.vector_load %arg12[%get3A_41, %get3A_42] {strides = array<i32>} : memref<2x128xf32, #tpu.memory_space<vmem>>, vector<1x16xf32>,
    %get3A_44 = vector.shape_cast %get3A_43 : vector<1x16xf32> to vector<16xf32>
    %get3A_45 = arith.constant 0 : i32
    %get3A_46 = arith.index_cast %get3A_45 : i32 to index
    %get3A_47 = arith.constant 16 : index
    %get3A_48 = tpu.vector_load %arg12[%get3A_46, %get3A_47] {strides = array<i32>} : memref<2x128xf32, #tpu.memory_space<vmem>>, vector<1x16xf32>,
    %get3A_49 = vector.shape_cast %get3A_48 : vector<1x16xf32> to vector<16xf32>
    %get3A_50 = arith.constant 0 : i32
    %get3A_51 = arith.index_cast %get3A_50 : i32 to index
    %get3A_52 = arith.constant 32 : index
    %get3A_53 = tpu.vector_load %arg12[%get3A_51, %get3A_52] {strides = array<i32>} : memref<2x128xf32, #tpu.memory_space<vmem>>, vector<1x16xf32>,
    %get3A_54 = vector.shape_cast %get3A_53 : vector<1x16xf32> to vector<16xf32>
    %get3A_55 = arith.constant 0 : i32
    %get3A_56 = arith.index_cast %get3A_55 : i32 to index
    %get3A_57 = arith.constant 48 : index
    %get3A_58 = tpu.vector_load %arg12[%get3A_56, %get3A_57] {strides = array<i32>} : memref<2x128xf32, #tpu.memory_space<vmem>>, vector<1x16xf32>,
    %get3A_59 = vector.shape_cast %get3A_58 : vector<1x16xf32> to vector<16xf32>
    %get3A_60 = arith.constant 0 : i32
    %get3A_61 = arith.index_cast %get3A_60 : i32 to index
    %get3A_62 = arith.constant 64 : index
    %get3A_63 = tpu.vector_load %arg12[%get3A_61, %get3A_62] {strides = array<i32>} : memref<2x128xf32, #tpu.memory_space<vmem>>, vector<1x16xf32>,
    %get3A_64 = vector.shape_cast %get3A_63 : vector<1x16xf32> to vector<16xf32>
    %get3A_65 = arith.constant 0 : i32
    %get3A_66 = arith.index_cast %get3A_65 : i32 to index
    %get3A_67 = arith.constant 80 : index
    %get3A_68 = tpu.vector_load %arg12[%get3A_66, %get3A_67] {strides = array<i32>} : memref<2x128xf32, #tpu.memory_space<vmem>>, vector<1x16xf32>,
    %get3A_69 = vector.shape_cast %get3A_68 : vector<1x16xf32> to vector<16xf32>
    %get3A_70 = arith.constant 0 : i32
    %get3A_71 = arith.index_cast %get3A_70 : i32 to index
    %get3A_72 = arith.constant 96 : index
    %get3A_73 = tpu.vector_load %arg12[%get3A_71, %get3A_72] {strides = array<i32>} : memref<2x128xf32, #tpu.memory_space<vmem>>, vector<1x16xf32>,
    %get3A_74 = vector.shape_cast %get3A_73 : vector<1x16xf32> to vector<16xf32>
    %get3A_75 = arith.constant 0 : i32
    %get3A_76 = arith.index_cast %get3A_75 : i32 to index
    %get3A_77 = arith.constant 112 : index
    %get3A_78 = tpu.vector_load %arg12[%get3A_76, %get3A_77] {strides = array<i32>} : memref<2x128xf32, #tpu.memory_space<vmem>>, vector<1x16xf32>,
    %get3A_79 = vector.shape_cast %get3A_78 : vector<1x16xf32> to vector<16xf32>
    %get3A_80 = arith.constant 1 : i32
    %get3A_81 = arith.index_cast %get3A_80 : i32 to index
    %get3A_82 = arith.constant 0 : index
    %get3A_83 = tpu.vector_load %arg12[%get3A_81, %get3A_82] {strides = array<i32>} : memref<2x128xf32, #tpu.memory_space<vmem>>, vector<1x16xf32>,
    %get3A_84 = vector.shape_cast %get3A_83 : vector<1x16xf32> to vector<16xf32>
    %sub3A = arith.subf %get3A_84, %get3A_44 : vector<16xf32>
    %get3A_85 = arith.constant 1 : i32
    %get3A_86 = arith.index_cast %get3A_85 : i32 to index
    %get3A_87 = arith.constant 16 : index
    %get3A_88 = tpu.vector_load %arg12[%get3A_86, %get3A_87] {strides = array<i32>} : memref<2x128xf32, #tpu.memory_space<vmem>>, vector<1x16xf32>,
    %get3A_89 = vector.shape_cast %get3A_88 : vector<1x16xf32> to vector<16xf32>
    %sub3A_90 = arith.subf %get3A_89, %get3A_49 : vector<16xf32>
    %get3A_91 = arith.constant 1 : i32
    %get3A_92 = arith.index_cast %get3A_91 : i32 to index
    %get3A_93 = arith.constant 32 : index
    %get3A_94 = tpu.vector_load %arg12[%get3A_92, %get3A_93] {strides = array<i32>} : memref<2x128xf32, #tpu.memory_space<vmem>>, vector<1x16xf32>,
    %get3A_95 = vector.shape_cast %get3A_94 : vector<1x16xf32> to vector<16xf32>
    %sub3A_96 = arith.subf %get3A_95, %get3A_54 : vector<16xf32>
    %get3A_97 = arith.constant 1 : i32
    %get3A_98 = arith.index_cast %get3A_97 : i32 to index
    %get3A_99 = arith.constant 48 : index
    %get3A_100 = tpu.vector_load %arg12[%get3A_98, %get3A_99] {strides = array<i32>} : memref<2x128xf32, #tpu.memory_space<vmem>>, vector<1x16xf32>,
    %get3A_101 = vector.shape_cast %get3A_100 : vector<1x16xf32> to vector<16xf32>
    %sub3A_102 = arith.subf %get3A_101, %get3A_59 : vector<16xf32>
    %get3A_103 = arith.constant 1 : i32
    %get3A_104 = arith.index_cast %get3A_103 : i32 to index
    %get3A_105 = arith.constant 64 : index
    %get3A_106 = tpu.vector_load %arg12[%get3A_104, %get3A_105] {strides = array<i32>} : memref<2x128xf32, #tpu.memory_space<vmem>>, vector<1x16xf32>,
    %get3A_107 = vector.shape_cast %get3A_106 : vector<1x16xf32> to vector<16xf32>
    %sub3A_108 = arith.subf %get3A_107, %get3A_64 : vector<16xf32>
    %get3A_109 = arith.constant 1 : i32
    %get3A_110 = arith.index_cast %get3A_109 : i32 to index
    %get3A_111 = arith.constant 80 : index
    %get3A_112 = tpu.vector_load %arg12[%get3A_110, %get3A_111] {strides = array<i32>} : memref<2x128xf32, #tpu.memory_space<vmem>>, vector<1x16xf32>,
    %get3A_113 = vector.shape_cast %get3A_112 : vector<1x16xf32> to vector<16xf32>
    %sub3A_114 = arith.subf %get3A_113, %get3A_69 : vector<16xf32>
    %get3A_115 = arith.constant 1 : i32
    %get3A_116 = arith.index_cast %get3A_115 : i32 to index
    %get3A_117 = arith.constant 96 : index
    %get3A_118 = tpu.vector_load %arg12[%get3A_116, %get3A_117] {strides = array<i32>} : memref<2x128xf32, #tpu.memory_space<vmem>>, vector<1x16xf32>,
    %get3A_119 = vector.shape_cast %get3A_118 : vector<1x16xf32> to vector<16xf32>
    %sub3A_120 = arith.subf %get3A_119, %get3A_74 : vector<16xf32>
    %get3A_121 = arith.constant 1 : i32
    %get3A_122 = arith.index_cast %get3A_121 : i32 to index
    %get3A_123 = arith.constant 112 : index
    %get3A_124 = tpu.vector_load %arg12[%get3A_122, %get3A_123] {strides = array<i32>} : memref<2x128xf32, #tpu.memory_space<vmem>>, vector<1x16xf32>,
    %get3A_125 = vector.shape_cast %get3A_124 : vector<1x16xf32> to vector<16xf32>
    %sub3A_126 = arith.subf %get3A_125, %get3A_79 : vector<16xf32>
    %parallel_loop3A = arith.constant 0 : i32
    %parallel_loop3A_127 = arith.constant 64 : i32
    %parallel_loop3A_128 = arith.constant 1 : i32
    scf.for %parallel_loop3A_306 = %parallel_loop3A to %parallel_loop3A_127 step %parallel_loop3A_128  : i32 {
      %parallel_loop3A_307 = arith.constant 0 : i32
      %parallel_loop3A_308 = arith.addi %parallel_loop3A_307, %parallel_loop3A_306 : i32
      %parallel_loop3A_309 = arith.index_cast %parallel_loop3A_308 : i32 to index
      %parallel_loop3A_310 = arith.constant 0 : index
      %parallel_loop3A_311 = tpu.vector_load %arg9[%parallel_loop3A_309, %parallel_loop3A_310] {strides = array<i32>} : memref<256x16xf32, #tpu.memory_space<vmem>>, vector<1x16xf32>,
      %parallel_loop3A_312 = vector.shape_cast %parallel_loop3A_311 : vector<1x16xf32> to vector<16xf32>
      %parallel_loop3A_313 = arith.index_cast %parallel_loop3A_306 : i32 to index
      %parallel_loop3A_314 = arith.constant 0 : index
      %parallel_loop3A_315 = tpu.vector_load %arg10[%parallel_loop3A_313, %parallel_loop3A_314] {strides = array<i32>} : memref<64x128xf32, #tpu.memory_space<vmem>>, vector<1x16xf32>,
      %parallel_loop3A_316 = vector.shape_cast %parallel_loop3A_315 : vector<1x16xf32> to vector<16xf32>
      %parallel_loop3A_317 = arith.mulf %parallel_loop3A_312, %sub3A : vector<16xf32>
      %parallel_loop3A_318 = arith.addf %get3A_44, %parallel_loop3A_317 : vector<16xf32>
      %parallel_loop3A_319 = arith.addf %parallel_loop3A_316, %parallel_loop3A_318 : vector<16xf32>
      %parallel_loop3A_320 = arith.index_cast %parallel_loop3A_308 : i32 to index
      %parallel_loop3A_321 = arith.constant 0 : index
      %parallel_loop3A_322 = tpu.vector_load %arg11[%parallel_loop3A_320, %parallel_loop3A_321] {strides = array<i32>} : memref<256x128xf32, #tpu.memory_space<vmem>>, vector<1x16xf32>,
      %parallel_loop3A_323 = vector.shape_cast %parallel_loop3A_322 : vector<1x16xf32> to vector<16xf32>
      %parallel_loop3A_324 = vector.shape_cast %parallel_loop3A_319 : vector<16xf32> to vector<1x16xf32>
      tpu.vector_store %arg11[%parallel_loop3A_320, %parallel_loop3A_321], %parallel_loop3A_324 {strides = array<i32>} : memref<256x128xf32, #tpu.memory_space<vmem>>, vector<1x16xf32>,
      %parallel_loop3A_325 = arith.index_cast %parallel_loop3A_306 : i32 to index
      %parallel_loop3A_326 = arith.constant 16 : index
      %parallel_loop3A_327 = tpu.vector_load %arg10[%parallel_loop3A_325, %parallel_loop3A_326] {strides = array<i32>} : memref<64x128xf32, #tpu.memory_space<vmem>>, vector<1x16xf32>,
      %parallel_loop3A_328 = vector.shape_cast %parallel_loop3A_327 : vector<1x16xf32> to vector<16xf32>
      %parallel_loop3A_329 = arith.mulf %parallel_loop3A_312, %sub3A_90 : vector<16xf32>
      %parallel_loop3A_330 = arith.addf %get3A_49, %parallel_loop3A_329 : vector<16xf32>
      %parallel_loop3A_331 = arith.addf %parallel_loop3A_328, %parallel_loop3A_330 : vector<16xf32>
      %parallel_loop3A_332 = arith.index_cast %parallel_loop3A_308 : i32 to index
      %parallel_loop3A_333 = arith.constant 16 : index
      %parallel_loop3A_334 = tpu.vector_load %arg11[%parallel_loop3A_332, %parallel_loop3A_333] {strides = array<i32>} : memref<256x128xf32, #tpu.memory_space<vmem>>, vector<1x16xf32>,
      %parallel_loop3A_335 = vector.shape_cast %parallel_loop3A_334 : vector<1x16xf32> to vector<16xf32>
      %parallel_loop3A_336 = vector.shape_cast %parallel_loop3A_331 : vector<16xf32> to vector<1x16xf32>
      tpu.vector_store %arg11[%parallel_loop3A_332, %parallel_loop3A_333], %parallel_loop3A_336 {strides = array<i32>} : memref<256x128xf32, #tpu.memory_space<vmem>>, vector<1x16xf32>,
      %parallel_loop3A_337 = arith.index_cast %parallel_loop3A_306 : i32 to index
      %parallel_loop3A_338 = arith.constant 32 : index
      %parallel_loop3A_339 = tpu.vector_load %arg10[%parallel_loop3A_337, %parallel_loop3A_338] {strides = array<i32>} : memref<64x128xf32, #tpu.memory_space<vmem>>, vector<1x16xf32>,
      %parallel_loop3A_340 = vector.shape_cast %parallel_loop3A_339 : vector<1x16xf32> to vector<16xf32>
      %parallel_loop3A_341 = arith.mulf %parallel_loop3A_312, %sub3A_96 : vector<16xf32>
      %parallel_loop3A_342 = arith.addf %get3A_54, %parallel_loop3A_341 : vector<16xf32>
      %parallel_loop3A_343 = arith.addf %parallel_loop3A_340, %parallel_loop3A_342 : vector<16xf32>
      %parallel_loop3A_344 = arith.index_cast %parallel_loop3A_308 : i32 to index
      %parallel_loop3A_345 = arith.constant 32 : index
      %parallel_loop3A_346 = tpu.vector_load %arg11[%parallel_loop3A_344, %parallel_loop3A_345] {strides = array<i32>} : memref<256x128xf32, #tpu.memory_space<vmem>>, vector<1x16xf32>,
      %parallel_loop3A_347 = vector.shape_cast %parallel_loop3A_346 : vector<1x16xf32> to vector<16xf32>
      %parallel_loop3A_348 = vector.shape_cast %parallel_loop3A_343 : vector<16xf32> to vector<1x16xf32>
      tpu.vector_store %arg11[%parallel_loop3A_344, %parallel_loop3A_345], %parallel_loop3A_348 {strides = array<i32>} : memref<256x128xf32, #tpu.memory_space<vmem>>, vector<1x16xf32>,
      %parallel_loop3A_349 = arith.index_cast %parallel_loop3A_306 : i32 to index
      %parallel_loop3A_350 = arith.constant 48 : index
      %parallel_loop3A_351 = tpu.vector_load %arg10[%parallel_loop3A_349, %parallel_loop3A_350] {strides = array<i32>} : memref<64x128xf32, #tpu.memory_space<vmem>>, vector<1x16xf32>,
      %parallel_loop3A_352 = vector.shape_cast %parallel_loop3A_351 : vector<1x16xf32> to vector<16xf32>
      %parallel_loop3A_353 = arith.mulf %parallel_loop3A_312, %sub3A_102 : vector<16xf32>
      %parallel_loop3A_354 = arith.addf %get3A_59, %parallel_loop3A_353 : vector<16xf32>
      %parallel_loop3A_355 = arith.addf %parallel_loop3A_352, %parallel_loop3A_354 : vector<16xf32>
      %parallel_loop3A_356 = arith.index_cast %parallel_loop3A_308 : i32 to index
      %parallel_loop3A_357 = arith.constant 48 : index
      %parallel_loop3A_358 = tpu.vector_load %arg11[%parallel_loop3A_356, %parallel_loop3A_357] {strides = array<i32>} : memref<256x128xf32, #tpu.memory_space<vmem>>, vector<1x16xf32>,
      %parallel_loop3A_359 = vector.shape_cast %parallel_loop3A_358 : vector<1x16xf32> to vector<16xf32>
      %parallel_loop3A_360 = vector.shape_cast %parallel_loop3A_355 : vector<16xf32> to vector<1x16xf32>
      tpu.vector_store %arg11[%parallel_loop3A_356, %parallel_loop3A_357], %parallel_loop3A_360 {strides = array<i32>} : memref<256x128xf32, #tpu.memory_space<vmem>>, vector<1x16xf32>,
      %parallel_loop3A_361 = arith.index_cast %parallel_loop3A_306 : i32 to index
      %parallel_loop3A_362 = arith.constant 64 : index
      %parallel_loop3A_363 = tpu.vector_load %arg10[%parallel_loop3A_361, %parallel_loop3A_362] {strides = array<i32>} : memref<64x128xf32, #tpu.memory_space<vmem>>, vector<1x16xf32>,
      %parallel_loop3A_364 = vector.shape_cast %parallel_loop3A_363 : vector<1x16xf32> to vector<16xf32>
      %parallel_loop3A_365 = arith.mulf %parallel_loop3A_312, %sub3A_108 : vector<16xf32>
      %parallel_loop3A_366 = arith.addf %get3A_64, %parallel_loop3A_365 : vector<16xf32>
      %parallel_loop3A_367 = arith.addf %parallel_loop3A_364, %parallel_loop3A_366 : vector<16xf32>
      %parallel_loop3A_368 = arith.index_cast %parallel_loop3A_308 : i32 to index
      %parallel_loop3A_369 = arith.constant 64 : index
      %parallel_loop3A_370 = tpu.vector_load %arg11[%parallel_loop3A_368, %parallel_loop3A_369] {strides = array<i32>} : memref<256x128xf32, #tpu.memory_space<vmem>>, vector<1x16xf32>,
      %parallel_loop3A_371 = vector.shape_cast %parallel_loop3A_370 : vector<1x16xf32> to vector<16xf32>
      %parallel_loop3A_372 = vector.shape_cast %parallel_loop3A_367 : vector<16xf32> to vector<1x16xf32>
      tpu.vector_store %arg11[%parallel_loop3A_368, %parallel_loop3A_369], %parallel_loop3A_372 {strides = array<i32>} : memref<256x128xf32, #tpu.memory_space<vmem>>, vector<1x16xf32>,
      %parallel_loop3A_373 = arith.index_cast %parallel_loop3A_306 : i32 to index
      %parallel_loop3A_374 = arith.constant 80 : index
      %parallel_loop3A_375 = tpu.vector_load %arg10[%parallel_loop3A_373, %parallel_loop3A_374] {strides = array<i32>} : memref<64x128xf32, #tpu.memory_space<vmem>>, vector<1x16xf32>,
      %parallel_loop3A_376 = vector.shape_cast %parallel_loop3A_375 : vector<1x16xf32> to vector<16xf32>
      %parallel_loop3A_377 = arith.mulf %parallel_loop3A_312, %sub3A_114 : vector<16xf32>
      %parallel_loop3A_378 = arith.addf %get3A_69, %parallel_loop3A_377 : vector<16xf32>
      %parallel_loop3A_379 = arith.addf %parallel_loop3A_376, %parallel_loop3A_378 : vector<16xf32>
      %parallel_loop3A_380 = arith.index_cast %parallel_loop3A_308 : i32 to index
      %parallel_loop3A_381 = arith.constant 80 : index
      %parallel_loop3A_382 = tpu.vector_load %arg11[%parallel_loop3A_380, %parallel_loop3A_381] {strides = array<i32>} : memref<256x128xf32, #tpu.memory_space<vmem>>, vector<1x16xf32>,
      %parallel_loop3A_383 = vector.shape_cast %parallel_loop3A_382 : vector<1x16xf32> to vector<16xf32>
      %parallel_loop3A_384 = vector.shape_cast %parallel_loop3A_379 : vector<16xf32> to vector<1x16xf32>
      tpu.vector_store %arg11[%parallel_loop3A_380, %parallel_loop3A_381], %parallel_loop3A_384 {strides = array<i32>} : memref<256x128xf32, #tpu.memory_space<vmem>>, vector<1x16xf32>,
      %parallel_loop3A_385 = arith.index_cast %parallel_loop3A_306 : i32 to index
      %parallel_loop3A_386 = arith.constant 96 : index
      %parallel_loop3A_387 = tpu.vector_load %arg10[%parallel_loop3A_385, %parallel_loop3A_386] {strides = array<i32>} : memref<64x128xf32, #tpu.memory_space<vmem>>, vector<1x16xf32>,
      %parallel_loop3A_388 = vector.shape_cast %parallel_loop3A_387 : vector<1x16xf32> to vector<16xf32>
      %parallel_loop3A_389 = arith.mulf %parallel_loop3A_312, %sub3A_120 : vector<16xf32>
      %parallel_loop3A_390 = arith.addf %get3A_74, %parallel_loop3A_389 : vector<16xf32>
      %parallel_loop3A_391 = arith.addf %parallel_loop3A_388, %parallel_loop3A_390 : vector<16xf32>
      %parallel_loop3A_392 = arith.index_cast %parallel_loop3A_308 : i32 to index
      %parallel_loop3A_393 = arith.constant 96 : index
      %parallel_loop3A_394 = tpu.vector_load %arg11[%parallel_loop3A_392, %parallel_loop3A_393] {strides = array<i32>} : memref<256x128xf32, #tpu.memory_space<vmem>>, vector<1x16xf32>,
      %parallel_loop3A_395 = vector.shape_cast %parallel_loop3A_394 : vector<1x16xf32> to vector<16xf32>
      %parallel_loop3A_396 = vector.shape_cast %parallel_loop3A_391 : vector<16xf32> to vector<1x16xf32>
      tpu.vector_store %arg11[%parallel_loop3A_392, %parallel_loop3A_393], %parallel_loop3A_396 {strides = array<i32>} : memref<256x128xf32, #tpu.memory_space<vmem>>, vector<1x16xf32>,
      %parallel_loop3A_397 = arith.index_cast %parallel_loop3A_306 : i32 to index
      %parallel_loop3A_398 = arith.constant 112 : index
      %parallel_loop3A_399 = tpu.vector_load %arg10[%parallel_loop3A_397, %parallel_loop3A_398] {strides = array<i32>} : memref<64x128xf32, #tpu.memory_space<vmem>>, vector<1x16xf32>,
      %parallel_loop3A_400 = vector.shape_cast %parallel_loop3A_399 : vector<1x16xf32> to vector<16xf32>
      %parallel_loop3A_401 = arith.mulf %parallel_loop3A_312, %sub3A_126 : vector<16xf32>
      %parallel_loop3A_402 = arith.addf %get3A_79, %parallel_loop3A_401 : vector<16xf32>
      %parallel_loop3A_403 = arith.addf %parallel_loop3A_400, %parallel_loop3A_402 : vector<16xf32>
      %parallel_loop3A_404 = arith.index_cast %parallel_loop3A_308 : i32 to index
      %parallel_loop3A_405 = arith.constant 112 : index
      %parallel_loop3A_406 = tpu.vector_load %arg11[%parallel_loop3A_404, %parallel_loop3A_405] {strides = array<i32>} : memref<256x128xf32, #tpu.memory_space<vmem>>, vector<1x16xf32>,
      %parallel_loop3A_407 = vector.shape_cast %parallel_loop3A_406 : vector<1x16xf32> to vector<16xf32>
      %parallel_loop3A_408 = vector.shape_cast %parallel_loop3A_403 : vector<16xf32> to vector<1x16xf32>
      tpu.vector_store %arg11[%parallel_loop3A_404, %parallel_loop3A_405], %parallel_loop3A_408 {strides = array<i32>} : memref<256x128xf32, #tpu.memory_space<vmem>>, vector<1x16xf32>,
    } {sc.loop_unroll_factor = 2 : i64, sc.parallel_access}
    %dma_start3A_129 = arith.constant 0 : i32
    %dma_start3A_130 = arith.constant 0 : i32
    %dma_start3A_131 = arith.constant 0 : i32
    %dma_start3A_132 = tpu.memref_slice %arg11[%dma_start3A_130, %dma_start3A_131] : memref<256x128xf32, #tpu.memory_space<vmem>> -> memref<64x128xf32, #tpu.memory_space<vmem>>
    %dma_start3A_133 = arith.constant 0 : i32
    %dma_start3A_134 = tpu.memref_slice %arg8[%dma_start3A_129, %dma_start3A_133] : memref<4x64xi32, #tpu.memory_space<vmem>> -> memref<1x64xi32, #tpu.memory_space<vmem>>
    %dma_start3A_135 = tpu.memref_squeeze %dma_start3A_134 : memref<1x64xi32, #tpu.memory_space<vmem>> -> memref<64xi32, #tpu.memory_space<vmem>>
    %dma_start3A_136 = arith.constant 0 : i32
    %dma_start3A_137 = arith.constant 0 : i32
    %dma_start3A_138 = tpu.memref_slice %arg4[%dma_start3A_136, %dma_start3A_137] : memref<100000x128xf32, #tpu.memory_space<hbm>> -> memref<100000x128xf32, #tpu.memory_space<hbm>>
    tpu.enqueue_indirect_dma source(%dma_start3A_138 : memref<100000x128xf32, #tpu.memory_space<hbm>>) target(%dma_start3A_132 : memref<64x128xf32, #tpu.memory_space<vmem>>) offsets(%dma_start3A_135 : memref<64xi32, #tpu.memory_space<vmem>>) semaphore(%arg13 : memref<!tpu.dma_semaphore, #tpu.memory_space<semaphore_mem>>) {add = true}
    %parallel_loop3A_139 = arith.constant 0 : i32
    %parallel_loop3A_140 = arith.constant 64 : i32
    %parallel_loop3A_141 = arith.constant 1 : i32
    scf.for %parallel_loop3A_306 = %parallel_loop3A_139 to %parallel_loop3A_140 step %parallel_loop3A_141  : i32 {
      %parallel_loop3A_307 = arith.constant 64 : i32
      %parallel_loop3A_308 = arith.addi %parallel_loop3A_307, %parallel_loop3A_306 : i32
      %parallel_loop3A_309 = arith.index_cast %parallel_loop3A_308 : i32 to index
      %parallel_loop3A_310 = arith.constant 0 : index
      %parallel_loop3A_311 = tpu.vector_load %arg9[%parallel_loop3A_309, %parallel_loop3A_310] {strides = array<i32>} : memref<256x16xf32, #tpu.memory_space<vmem>>, vector<1x16xf32>,
      %parallel_loop3A_312 = vector.shape_cast %parallel_loop3A_311 : vector<1x16xf32> to vector<16xf32>
      %parallel_loop3A_313 = arith.index_cast %parallel_loop3A_306 : i32 to index
      %parallel_loop3A_314 = arith.constant 0 : index
      %parallel_loop3A_315 = tpu.vector_load %arg10[%parallel_loop3A_313, %parallel_loop3A_314] {strides = array<i32>} : memref<64x128xf32, #tpu.memory_space<vmem>>, vector<1x16xf32>,
      %parallel_loop3A_316 = vector.shape_cast %parallel_loop3A_315 : vector<1x16xf32> to vector<16xf32>
      %parallel_loop3A_317 = arith.mulf %parallel_loop3A_312, %sub3A : vector<16xf32>
      %parallel_loop3A_318 = arith.addf %get3A_44, %parallel_loop3A_317 : vector<16xf32>
      %parallel_loop3A_319 = arith.addf %parallel_loop3A_316, %parallel_loop3A_318 : vector<16xf32>
      %parallel_loop3A_320 = arith.index_cast %parallel_loop3A_308 : i32 to index
      %parallel_loop3A_321 = arith.constant 0 : index
      %parallel_loop3A_322 = tpu.vector_load %arg11[%parallel_loop3A_320, %parallel_loop3A_321] {strides = array<i32>} : memref<256x128xf32, #tpu.memory_space<vmem>>, vector<1x16xf32>,
      %parallel_loop3A_323 = vector.shape_cast %parallel_loop3A_322 : vector<1x16xf32> to vector<16xf32>
      %parallel_loop3A_324 = vector.shape_cast %parallel_loop3A_319 : vector<16xf32> to vector<1x16xf32>
      tpu.vector_store %arg11[%parallel_loop3A_320, %parallel_loop3A_321], %parallel_loop3A_324 {strides = array<i32>} : memref<256x128xf32, #tpu.memory_space<vmem>>, vector<1x16xf32>,
      %parallel_loop3A_325 = arith.index_cast %parallel_loop3A_306 : i32 to index
      %parallel_loop3A_326 = arith.constant 16 : index
      %parallel_loop3A_327 = tpu.vector_load %arg10[%parallel_loop3A_325, %parallel_loop3A_326] {strides = array<i32>} : memref<64x128xf32, #tpu.memory_space<vmem>>, vector<1x16xf32>,
      %parallel_loop3A_328 = vector.shape_cast %parallel_loop3A_327 : vector<1x16xf32> to vector<16xf32>
      %parallel_loop3A_329 = arith.mulf %parallel_loop3A_312, %sub3A_90 : vector<16xf32>
      %parallel_loop3A_330 = arith.addf %get3A_49, %parallel_loop3A_329 : vector<16xf32>
      %parallel_loop3A_331 = arith.addf %parallel_loop3A_328, %parallel_loop3A_330 : vector<16xf32>
      %parallel_loop3A_332 = arith.index_cast %parallel_loop3A_308 : i32 to index
      %parallel_loop3A_333 = arith.constant 16 : index
      %parallel_loop3A_334 = tpu.vector_load %arg11[%parallel_loop3A_332, %parallel_loop3A_333] {strides = array<i32>} : memref<256x128xf32, #tpu.memory_space<vmem>>, vector<1x16xf32>,
      %parallel_loop3A_335 = vector.shape_cast %parallel_loop3A_334 : vector<1x16xf32> to vector<16xf32>
      %parallel_loop3A_336 = vector.shape_cast %parallel_loop3A_331 : vector<16xf32> to vector<1x16xf32>
      tpu.vector_store %arg11[%parallel_loop3A_332, %parallel_loop3A_333], %parallel_loop3A_336 {strides = array<i32>} : memref<256x128xf32, #tpu.memory_space<vmem>>, vector<1x16xf32>,
      %parallel_loop3A_337 = arith.index_cast %parallel_loop3A_306 : i32 to index
      %parallel_loop3A_338 = arith.constant 32 : index
      %parallel_loop3A_339 = tpu.vector_load %arg10[%parallel_loop3A_337, %parallel_loop3A_338] {strides = array<i32>} : memref<64x128xf32, #tpu.memory_space<vmem>>, vector<1x16xf32>,
      %parallel_loop3A_340 = vector.shape_cast %parallel_loop3A_339 : vector<1x16xf32> to vector<16xf32>
      %parallel_loop3A_341 = arith.mulf %parallel_loop3A_312, %sub3A_96 : vector<16xf32>
      %parallel_loop3A_342 = arith.addf %get3A_54, %parallel_loop3A_341 : vector<16xf32>
      %parallel_loop3A_343 = arith.addf %parallel_loop3A_340, %parallel_loop3A_342 : vector<16xf32>
      %parallel_loop3A_344 = arith.index_cast %parallel_loop3A_308 : i32 to index
      %parallel_loop3A_345 = arith.constant 32 : index
      %parallel_loop3A_346 = tpu.vector_load %arg11[%parallel_loop3A_344, %parallel_loop3A_345] {strides = array<i32>} : memref<256x128xf32, #tpu.memory_space<vmem>>, vector<1x16xf32>,
      %parallel_loop3A_347 = vector.shape_cast %parallel_loop3A_346 : vector<1x16xf32> to vector<16xf32>
      %parallel_loop3A_348 = vector.shape_cast %parallel_loop3A_343 : vector<16xf32> to vector<1x16xf32>
      tpu.vector_store %arg11[%parallel_loop3A_344, %parallel_loop3A_345], %parallel_loop3A_348 {strides = array<i32>} : memref<256x128xf32, #tpu.memory_space<vmem>>, vector<1x16xf32>,
      %parallel_loop3A_349 = arith.index_cast %parallel_loop3A_306 : i32 to index
      %parallel_loop3A_350 = arith.constant 48 : index
      %parallel_loop3A_351 = tpu.vector_load %arg10[%parallel_loop3A_349, %parallel_loop3A_350] {strides = array<i32>} : memref<64x128xf32, #tpu.memory_space<vmem>>, vector<1x16xf32>,
      %parallel_loop3A_352 = vector.shape_cast %parallel_loop3A_351 : vector<1x16xf32> to vector<16xf32>
      %parallel_loop3A_353 = arith.mulf %parallel_loop3A_312, %sub3A_102 : vector<16xf32>
      %parallel_loop3A_354 = arith.addf %get3A_59, %parallel_loop3A_353 : vector<16xf32>
      %parallel_loop3A_355 = arith.addf %parallel_loop3A_352, %parallel_loop3A_354 : vector<16xf32>
      %parallel_loop3A_356 = arith.index_cast %parallel_loop3A_308 : i32 to index
      %parallel_loop3A_357 = arith.constant 48 : index
      %parallel_loop3A_358 = tpu.vector_load %arg11[%parallel_loop3A_356, %parallel_loop3A_357] {strides = array<i32>} : memref<256x128xf32, #tpu.memory_space<vmem>>, vector<1x16xf32>,
      %parallel_loop3A_359 = vector.shape_cast %parallel_loop3A_358 : vector<1x16xf32> to vector<16xf32>
      %parallel_loop3A_360 = vector.shape_cast %parallel_loop3A_355 : vector<16xf32> to vector<1x16xf32>
      tpu.vector_store %arg11[%parallel_loop3A_356, %parallel_loop3A_357], %parallel_loop3A_360 {strides = array<i32>} : memref<256x128xf32, #tpu.memory_space<vmem>>, vector<1x16xf32>,
      %parallel_loop3A_361 = arith.index_cast %parallel_loop3A_306 : i32 to index
      %parallel_loop3A_362 = arith.constant 64 : index
      %parallel_loop3A_363 = tpu.vector_load %arg10[%parallel_loop3A_361, %parallel_loop3A_362] {strides = array<i32>} : memref<64x128xf32, #tpu.memory_space<vmem>>, vector<1x16xf32>,
      %parallel_loop3A_364 = vector.shape_cast %parallel_loop3A_363 : vector<1x16xf32> to vector<16xf32>
      %parallel_loop3A_365 = arith.mulf %parallel_loop3A_312, %sub3A_108 : vector<16xf32>
      %parallel_loop3A_366 = arith.addf %get3A_64, %parallel_loop3A_365 : vector<16xf32>
      %parallel_loop3A_367 = arith.addf %parallel_loop3A_364, %parallel_loop3A_366 : vector<16xf32>
      %parallel_loop3A_368 = arith.index_cast %parallel_loop3A_308 : i32 to index
      %parallel_loop3A_369 = arith.constant 64 : index
      %parallel_loop3A_370 = tpu.vector_load %arg11[%parallel_loop3A_368, %parallel_loop3A_369] {strides = array<i32>} : memref<256x128xf32, #tpu.memory_space<vmem>>, vector<1x16xf32>,
      %parallel_loop3A_371 = vector.shape_cast %parallel_loop3A_370 : vector<1x16xf32> to vector<16xf32>
      %parallel_loop3A_372 = vector.shape_cast %parallel_loop3A_367 : vector<16xf32> to vector<1x16xf32>
      tpu.vector_store %arg11[%parallel_loop3A_368, %parallel_loop3A_369], %parallel_loop3A_372 {strides = array<i32>} : memref<256x128xf32, #tpu.memory_space<vmem>>, vector<1x16xf32>,
      %parallel_loop3A_373 = arith.index_cast %parallel_loop3A_306 : i32 to index
      %parallel_loop3A_374 = arith.constant 80 : index
      %parallel_loop3A_375 = tpu.vector_load %arg10[%parallel_loop3A_373, %parallel_loop3A_374] {strides = array<i32>} : memref<64x128xf32, #tpu.memory_space<vmem>>, vector<1x16xf32>,
      %parallel_loop3A_376 = vector.shape_cast %parallel_loop3A_375 : vector<1x16xf32> to vector<16xf32>
      %parallel_loop3A_377 = arith.mulf %parallel_loop3A_312, %sub3A_114 : vector<16xf32>
      %parallel_loop3A_378 = arith.addf %get3A_69, %parallel_loop3A_377 : vector<16xf32>
      %parallel_loop3A_379 = arith.addf %parallel_loop3A_376, %parallel_loop3A_378 : vector<16xf32>
      %parallel_loop3A_380 = arith.index_cast %parallel_loop3A_308 : i32 to index
      %parallel_loop3A_381 = arith.constant 80 : index
      %parallel_loop3A_382 = tpu.vector_load %arg11[%parallel_loop3A_380, %parallel_loop3A_381] {strides = array<i32>} : memref<256x128xf32, #tpu.memory_space<vmem>>, vector<1x16xf32>,
      %parallel_loop3A_383 = vector.shape_cast %parallel_loop3A_382 : vector<1x16xf32> to vector<16xf32>
      %parallel_loop3A_384 = vector.shape_cast %parallel_loop3A_379 : vector<16xf32> to vector<1x16xf32>
      tpu.vector_store %arg11[%parallel_loop3A_380, %parallel_loop3A_381], %parallel_loop3A_384 {strides = array<i32>} : memref<256x128xf32, #tpu.memory_space<vmem>>, vector<1x16xf32>,
      %parallel_loop3A_385 = arith.index_cast %parallel_loop3A_306 : i32 to index
      %parallel_loop3A_386 = arith.constant 96 : index
      %parallel_loop3A_387 = tpu.vector_load %arg10[%parallel_loop3A_385, %parallel_loop3A_386] {strides = array<i32>} : memref<64x128xf32, #tpu.memory_space<vmem>>, vector<1x16xf32>,
      %parallel_loop3A_388 = vector.shape_cast %parallel_loop3A_387 : vector<1x16xf32> to vector<16xf32>
      %parallel_loop3A_389 = arith.mulf %parallel_loop3A_312, %sub3A_120 : vector<16xf32>
      %parallel_loop3A_390 = arith.addf %get3A_74, %parallel_loop3A_389 : vector<16xf32>
      %parallel_loop3A_391 = arith.addf %parallel_loop3A_388, %parallel_loop3A_390 : vector<16xf32>
      %parallel_loop3A_392 = arith.index_cast %parallel_loop3A_308 : i32 to index
      %parallel_loop3A_393 = arith.constant 96 : index
      %parallel_loop3A_394 = tpu.vector_load %arg11[%parallel_loop3A_392, %parallel_loop3A_393] {strides = array<i32>} : memref<256x128xf32, #tpu.memory_space<vmem>>, vector<1x16xf32>,
      %parallel_loop3A_395 = vector.shape_cast %parallel_loop3A_394 : vector<1x16xf32> to vector<16xf32>
      %parallel_loop3A_396 = vector.shape_cast %parallel_loop3A_391 : vector<16xf32> to vector<1x16xf32>
      tpu.vector_store %arg11[%parallel_loop3A_392, %parallel_loop3A_393], %parallel_loop3A_396 {strides = array<i32>} : memref<256x128xf32, #tpu.memory_space<vmem>>, vector<1x16xf32>,
      %parallel_loop3A_397 = arith.index_cast %parallel_loop3A_306 : i32 to index
      %parallel_loop3A_398 = arith.constant 112 : index
      %parallel_loop3A_399 = tpu.vector_load %arg10[%parallel_loop3A_397, %parallel_loop3A_398] {strides = array<i32>} : memref<64x128xf32, #tpu.memory_space<vmem>>, vector<1x16xf32>,
      %parallel_loop3A_400 = vector.shape_cast %parallel_loop3A_399 : vector<1x16xf32> to vector<16xf32>
      %parallel_loop3A_401 = arith.mulf %parallel_loop3A_312, %sub3A_126 : vector<16xf32>
      %parallel_loop3A_402 = arith.addf %get3A_79, %parallel_loop3A_401 : vector<16xf32>
      %parallel_loop3A_403 = arith.addf %parallel_loop3A_400, %parallel_loop3A_402 : vector<16xf32>
      %parallel_loop3A_404 = arith.index_cast %parallel_loop3A_308 : i32 to index
      %parallel_loop3A_405 = arith.constant 112 : index
      %parallel_loop3A_406 = tpu.vector_load %arg11[%parallel_loop3A_404, %parallel_loop3A_405] {strides = array<i32>} : memref<256x128xf32, #tpu.memory_space<vmem>>, vector<1x16xf32>,
      %parallel_loop3A_407 = vector.shape_cast %parallel_loop3A_406 : vector<1x16xf32> to vector<16xf32>
      %parallel_loop3A_408 = vector.shape_cast %parallel_loop3A_403 : vector<16xf32> to vector<1x16xf32>
      tpu.vector_store %arg11[%parallel_loop3A_404, %parallel_loop3A_405], %parallel_loop3A_408 {strides = array<i32>} : memref<256x128xf32, #tpu.memory_space<vmem>>, vector<1x16xf32>,
    } {sc.loop_unroll_factor = 2 : i64, sc.parallel_access}
    %dma_start3A_142 = arith.constant 1 : i32
    %dma_start3A_143 = arith.constant 64 : i32
    %dma_start3A_144 = arith.constant 0 : i32
    %dma_start3A_145 = tpu.memref_slice %arg11[%dma_start3A_143, %dma_start3A_144] : memref<256x128xf32, #tpu.memory_space<vmem>> -> memref<64x128xf32, #tpu.memory_space<vmem>>
    %dma_start3A_146 = arith.constant 0 : i32
    %dma_start3A_147 = tpu.memref_slice %arg8[%dma_start3A_142, %dma_start3A_146] : memref<4x64xi32, #tpu.memory_space<vmem>> -> memref<1x64xi32, #tpu.memory_space<vmem>>
    %dma_start3A_148 = tpu.memref_squeeze %dma_start3A_147 : memref<1x64xi32, #tpu.memory_space<vmem>> -> memref<64xi32, #tpu.memory_space<vmem>>
    %dma_start3A_149 = arith.constant 0 : i32
    %dma_start3A_150 = arith.constant 0 : i32
    %dma_start3A_151 = tpu.memref_slice %arg4[%dma_start3A_149, %dma_start3A_150] : memref<100000x128xf32, #tpu.memory_space<hbm>> -> memref<100000x128xf32, #tpu.memory_space<hbm>>
    tpu.enqueue_indirect_dma source(%dma_start3A_151 : memref<100000x128xf32, #tpu.memory_space<hbm>>) target(%dma_start3A_145 : memref<64x128xf32, #tpu.memory_space<vmem>>) offsets(%dma_start3A_148 : memref<64xi32, #tpu.memory_space<vmem>>) semaphore(%arg14 : memref<!tpu.dma_semaphore, #tpu.memory_space<semaphore_mem>>) {add = true}
    %parallel_loop3A_152 = arith.constant 0 : i32
    %parallel_loop3A_153 = arith.constant 64 : i32
    %parallel_loop3A_154 = arith.constant 1 : i32
    scf.for %parallel_loop3A_306 = %parallel_loop3A_152 to %parallel_loop3A_153 step %parallel_loop3A_154  : i32 {
      %parallel_loop3A_307 = arith.constant 128 : i32
      %parallel_loop3A_308 = arith.addi %parallel_loop3A_307, %parallel_loop3A_306 : i32
      %parallel_loop3A_309 = arith.index_cast %parallel_loop3A_308 : i32 to index
      %parallel_loop3A_310 = arith.constant 0 : index
      %parallel_loop3A_311 = tpu.vector_load %arg9[%parallel_loop3A_309, %parallel_loop3A_310] {strides = array<i32>} : memref<256x16xf32, #tpu.memory_space<vmem>>, vector<1x16xf32>,
      %parallel_loop3A_312 = vector.shape_cast %parallel_loop3A_311 : vector<1x16xf32> to vector<16xf32>
      %parallel_loop3A_313 = arith.index_cast %parallel_loop3A_306 : i32 to index
      %parallel_loop3A_314 = arith.constant 0 : index
      %parallel_loop3A_315 = tpu.vector_load %arg10[%parallel_loop3A_313, %parallel_loop3A_314] {strides = array<i32>} : memref<64x128xf32, #tpu.memory_space<vmem>>, vector<1x16xf32>,
      %parallel_loop3A_316 = vector.shape_cast %parallel_loop3A_315 : vector<1x16xf32> to vector<16xf32>
      %parallel_loop3A_317 = arith.mulf %parallel_loop3A_312, %sub3A : vector<16xf32>
      %parallel_loop3A_318 = arith.addf %get3A_44, %parallel_loop3A_317 : vector<16xf32>
      %parallel_loop3A_319 = arith.addf %parallel_loop3A_316, %parallel_loop3A_318 : vector<16xf32>
      %parallel_loop3A_320 = arith.index_cast %parallel_loop3A_308 : i32 to index
      %parallel_loop3A_321 = arith.constant 0 : index
      %parallel_loop3A_322 = tpu.vector_load %arg11[%parallel_loop3A_320, %parallel_loop3A_321] {strides = array<i32>} : memref<256x128xf32, #tpu.memory_space<vmem>>, vector<1x16xf32>,
      %parallel_loop3A_323 = vector.shape_cast %parallel_loop3A_322 : vector<1x16xf32> to vector<16xf32>
      %parallel_loop3A_324 = vector.shape_cast %parallel_loop3A_319 : vector<16xf32> to vector<1x16xf32>
      tpu.vector_store %arg11[%parallel_loop3A_320, %parallel_loop3A_321], %parallel_loop3A_324 {strides = array<i32>} : memref<256x128xf32, #tpu.memory_space<vmem>>, vector<1x16xf32>,
      %parallel_loop3A_325 = arith.index_cast %parallel_loop3A_306 : i32 to index
      %parallel_loop3A_326 = arith.constant 16 : index
      %parallel_loop3A_327 = tpu.vector_load %arg10[%parallel_loop3A_325, %parallel_loop3A_326] {strides = array<i32>} : memref<64x128xf32, #tpu.memory_space<vmem>>, vector<1x16xf32>,
      %parallel_loop3A_328 = vector.shape_cast %parallel_loop3A_327 : vector<1x16xf32> to vector<16xf32>
      %parallel_loop3A_329 = arith.mulf %parallel_loop3A_312, %sub3A_90 : vector<16xf32>
      %parallel_loop3A_330 = arith.addf %get3A_49, %parallel_loop3A_329 : vector<16xf32>
      %parallel_loop3A_331 = arith.addf %parallel_loop3A_328, %parallel_loop3A_330 : vector<16xf32>
      %parallel_loop3A_332 = arith.index_cast %parallel_loop3A_308 : i32 to index
      %parallel_loop3A_333 = arith.constant 16 : index
      %parallel_loop3A_334 = tpu.vector_load %arg11[%parallel_loop3A_332, %parallel_loop3A_333] {strides = array<i32>} : memref<256x128xf32, #tpu.memory_space<vmem>>, vector<1x16xf32>,
      %parallel_loop3A_335 = vector.shape_cast %parallel_loop3A_334 : vector<1x16xf32> to vector<16xf32>
      %parallel_loop3A_336 = vector.shape_cast %parallel_loop3A_331 : vector<16xf32> to vector<1x16xf32>
      tpu.vector_store %arg11[%parallel_loop3A_332, %parallel_loop3A_333], %parallel_loop3A_336 {strides = array<i32>} : memref<256x128xf32, #tpu.memory_space<vmem>>, vector<1x16xf32>,
      %parallel_loop3A_337 = arith.index_cast %parallel_loop3A_306 : i32 to index
      %parallel_loop3A_338 = arith.constant 32 : index
      %parallel_loop3A_339 = tpu.vector_load %arg10[%parallel_loop3A_337, %parallel_loop3A_338] {strides = array<i32>} : memref<64x128xf32, #tpu.memory_space<vmem>>, vector<1x16xf32>,
      %parallel_loop3A_340 = vector.shape_cast %parallel_loop3A_339 : vector<1x16xf32> to vector<16xf32>
      %parallel_loop3A_341 = arith.mulf %parallel_loop3A_312, %sub3A_96 : vector<16xf32>
      %parallel_loop3A_342 = arith.addf %get3A_54, %parallel_loop3A_341 : vector<16xf32>
      %parallel_loop3A_343 = arith.addf %parallel_loop3A_340, %parallel_loop3A_342 : vector<16xf32>
      %parallel_loop3A_344 = arith.index_cast %parallel_loop3A_308 : i32 to index
      %parallel_loop3A_345 = arith.constant 32 : index
      %parallel_loop3A_346 = tpu.vector_load %arg11[%parallel_loop3A_344, %parallel_loop3A_345] {strides = array<i32>} : memref<256x128xf32, #tpu.memory_space<vmem>>, vector<1x16xf32>,
      %parallel_loop3A_347 = vector.shape_cast %parallel_loop3A_346 : vector<1x16xf32> to vector<16xf32>
      %parallel_loop3A_348 = vector.shape_cast %parallel_loop3A_343 : vector<16xf32> to vector<1x16xf32>
      tpu.vector_store %arg11[%parallel_loop3A_344, %parallel_loop3A_345], %parallel_loop3A_348 {strides = array<i32>} : memref<256x128xf32, #tpu.memory_space<vmem>>, vector<1x16xf32>,
      %parallel_loop3A_349 = arith.index_cast %parallel_loop3A_306 : i32 to index
      %parallel_loop3A_350 = arith.constant 48 : index
      %parallel_loop3A_351 = tpu.vector_load %arg10[%parallel_loop3A_349, %parallel_loop3A_350] {strides = array<i32>} : memref<64x128xf32, #tpu.memory_space<vmem>>, vector<1x16xf32>,
      %parallel_loop3A_352 = vector.shape_cast %parallel_loop3A_351 : vector<1x16xf32> to vector<16xf32>
      %parallel_loop3A_353 = arith.mulf %parallel_loop3A_312, %sub3A_102 : vector<16xf32>
      %parallel_loop3A_354 = arith.addf %get3A_59, %parallel_loop3A_353 : vector<16xf32>
      %parallel_loop3A_355 = arith.addf %parallel_loop3A_352, %parallel_loop3A_354 : vector<16xf32>
      %parallel_loop3A_356 = arith.index_cast %parallel_loop3A_308 : i32 to index
      %parallel_loop3A_357 = arith.constant 48 : index
      %parallel_loop3A_358 = tpu.vector_load %arg11[%parallel_loop3A_356, %parallel_loop3A_357] {strides = array<i32>} : memref<256x128xf32, #tpu.memory_space<vmem>>, vector<1x16xf32>,
      %parallel_loop3A_359 = vector.shape_cast %parallel_loop3A_358 : vector<1x16xf32> to vector<16xf32>
      %parallel_loop3A_360 = vector.shape_cast %parallel_loop3A_355 : vector<16xf32> to vector<1x16xf32>
      tpu.vector_store %arg11[%parallel_loop3A_356, %parallel_loop3A_357], %parallel_loop3A_360 {strides = array<i32>} : memref<256x128xf32, #tpu.memory_space<vmem>>, vector<1x16xf32>,
      %parallel_loop3A_361 = arith.index_cast %parallel_loop3A_306 : i32 to index
      %parallel_loop3A_362 = arith.constant 64 : index
      %parallel_loop3A_363 = tpu.vector_load %arg10[%parallel_loop3A_361, %parallel_loop3A_362] {strides = array<i32>} : memref<64x128xf32, #tpu.memory_space<vmem>>, vector<1x16xf32>,
      %parallel_loop3A_364 = vector.shape_cast %parallel_loop3A_363 : vector<1x16xf32> to vector<16xf32>
      %parallel_loop3A_365 = arith.mulf %parallel_loop3A_312, %sub3A_108 : vector<16xf32>
      %parallel_loop3A_366 = arith.addf %get3A_64, %parallel_loop3A_365 : vector<16xf32>
      %parallel_loop3A_367 = arith.addf %parallel_loop3A_364, %parallel_loop3A_366 : vector<16xf32>
      %parallel_loop3A_368 = arith.index_cast %parallel_loop3A_308 : i32 to index
      %parallel_loop3A_369 = arith.constant 64 : index
      %parallel_loop3A_370 = tpu.vector_load %arg11[%parallel_loop3A_368, %parallel_loop3A_369] {strides = array<i32>} : memref<256x128xf32, #tpu.memory_space<vmem>>, vector<1x16xf32>,
      %parallel_loop3A_371 = vector.shape_cast %parallel_loop3A_370 : vector<1x16xf32> to vector<16xf32>
      %parallel_loop3A_372 = vector.shape_cast %parallel_loop3A_367 : vector<16xf32> to vector<1x16xf32>
      tpu.vector_store %arg11[%parallel_loop3A_368, %parallel_loop3A_369], %parallel_loop3A_372 {strides = array<i32>} : memref<256x128xf32, #tpu.memory_space<vmem>>, vector<1x16xf32>,
      %parallel_loop3A_373 = arith.index_cast %parallel_loop3A_306 : i32 to index
      %parallel_loop3A_374 = arith.constant 80 : index
      %parallel_loop3A_375 = tpu.vector_load %arg10[%parallel_loop3A_373, %parallel_loop3A_374] {strides = array<i32>} : memref<64x128xf32, #tpu.memory_space<vmem>>, vector<1x16xf32>,
      %parallel_loop3A_376 = vector.shape_cast %parallel_loop3A_375 : vector<1x16xf32> to vector<16xf32>
      %parallel_loop3A_377 = arith.mulf %parallel_loop3A_312, %sub3A_114 : vector<16xf32>
      %parallel_loop3A_378 = arith.addf %get3A_69, %parallel_loop3A_377 : vector<16xf32>
      %parallel_loop3A_379 = arith.addf %parallel_loop3A_376, %parallel_loop3A_378 : vector<16xf32>
      %parallel_loop3A_380 = arith.index_cast %parallel_loop3A_308 : i32 to index
      %parallel_loop3A_381 = arith.constant 80 : index
      %parallel_loop3A_382 = tpu.vector_load %arg11[%parallel_loop3A_380, %parallel_loop3A_381] {strides = array<i32>} : memref<256x128xf32, #tpu.memory_space<vmem>>, vector<1x16xf32>,
      %parallel_loop3A_383 = vector.shape_cast %parallel_loop3A_382 : vector<1x16xf32> to vector<16xf32>
      %parallel_loop3A_384 = vector.shape_cast %parallel_loop3A_379 : vector<16xf32> to vector<1x16xf32>
      tpu.vector_store %arg11[%parallel_loop3A_380, %parallel_loop3A_381], %parallel_loop3A_384 {strides = array<i32>} : memref<256x128xf32, #tpu.memory_space<vmem>>, vector<1x16xf32>,
      %parallel_loop3A_385 = arith.index_cast %parallel_loop3A_306 : i32 to index
      %parallel_loop3A_386 = arith.constant 96 : index
      %parallel_loop3A_387 = tpu.vector_load %arg10[%parallel_loop3A_385, %parallel_loop3A_386] {strides = array<i32>} : memref<64x128xf32, #tpu.memory_space<vmem>>, vector<1x16xf32>,
      %parallel_loop3A_388 = vector.shape_cast %parallel_loop3A_387 : vector<1x16xf32> to vector<16xf32>
      %parallel_loop3A_389 = arith.mulf %parallel_loop3A_312, %sub3A_120 : vector<16xf32>
      %parallel_loop3A_390 = arith.addf %get3A_74, %parallel_loop3A_389 : vector<16xf32>
      %parallel_loop3A_391 = arith.addf %parallel_loop3A_388, %parallel_loop3A_390 : vector<16xf32>
      %parallel_loop3A_392 = arith.index_cast %parallel_loop3A_308 : i32 to index
      %parallel_loop3A_393 = arith.constant 96 : index
      %parallel_loop3A_394 = tpu.vector_load %arg11[%parallel_loop3A_392, %parallel_loop3A_393] {strides = array<i32>} : memref<256x128xf32, #tpu.memory_space<vmem>>, vector<1x16xf32>,
      %parallel_loop3A_395 = vector.shape_cast %parallel_loop3A_394 : vector<1x16xf32> to vector<16xf32>
      %parallel_loop3A_396 = vector.shape_cast %parallel_loop3A_391 : vector<16xf32> to vector<1x16xf32>
      tpu.vector_store %arg11[%parallel_loop3A_392, %parallel_loop3A_393], %parallel_loop3A_396 {strides = array<i32>} : memref<256x128xf32, #tpu.memory_space<vmem>>, vector<1x16xf32>,
      %parallel_loop3A_397 = arith.index_cast %parallel_loop3A_306 : i32 to index
      %parallel_loop3A_398 = arith.constant 112 : index
      %parallel_loop3A_399 = tpu.vector_load %arg10[%parallel_loop3A_397, %parallel_loop3A_398] {strides = array<i32>} : memref<64x128xf32, #tpu.memory_space<vmem>>, vector<1x16xf32>,
      %parallel_loop3A_400 = vector.shape_cast %parallel_loop3A_399 : vector<1x16xf32> to vector<16xf32>
      %parallel_loop3A_401 = arith.mulf %parallel_loop3A_312, %sub3A_126 : vector<16xf32>
      %parallel_loop3A_402 = arith.addf %get3A_79, %parallel_loop3A_401 : vector<16xf32>
      %parallel_loop3A_403 = arith.addf %parallel_loop3A_400, %parallel_loop3A_402 : vector<16xf32>
      %parallel_loop3A_404 = arith.index_cast %parallel_loop3A_308 : i32 to index
      %parallel_loop3A_405 = arith.constant 112 : index
      %parallel_loop3A_406 = tpu.vector_load %arg11[%parallel_loop3A_404, %parallel_loop3A_405] {strides = array<i32>} : memref<256x128xf32, #tpu.memory_space<vmem>>, vector<1x16xf32>,
      %parallel_loop3A_407 = vector.shape_cast %parallel_loop3A_406 : vector<1x16xf32> to vector<16xf32>
      %parallel_loop3A_408 = vector.shape_cast %parallel_loop3A_403 : vector<16xf32> to vector<1x16xf32>
      tpu.vector_store %arg11[%parallel_loop3A_404, %parallel_loop3A_405], %parallel_loop3A_408 {strides = array<i32>} : memref<256x128xf32, #tpu.memory_space<vmem>>, vector<1x16xf32>,
    } {sc.loop_unroll_factor = 2 : i64, sc.parallel_access}
    %dma_start3A_155 = arith.constant 2 : i32
    %dma_start3A_156 = arith.constant 128 : i32
    %dma_start3A_157 = arith.constant 0 : i32
    %dma_start3A_158 = tpu.memref_slice %arg11[%dma_start3A_156, %dma_start3A_157] : memref<256x128xf32, #tpu.memory_space<vmem>> -> memref<64x128xf32, #tpu.memory_space<vmem>>
    %dma_start3A_159 = arith.constant 0 : i32
    %dma_start3A_160 = tpu.memref_slice %arg8[%dma_start3A_155, %dma_start3A_159] : memref<4x64xi32, #tpu.memory_space<vmem>> -> memref<1x64xi32, #tpu.memory_space<vmem>>
    %dma_start3A_161 = tpu.memref_squeeze %dma_start3A_160 : memref<1x64xi32, #tpu.memory_space<vmem>> -> memref<64xi32, #tpu.memory_space<vmem>>
    %dma_start3A_162 = arith.constant 0 : i32
    %dma_start3A_163 = arith.constant 0 : i32
    %dma_start3A_164 = tpu.memref_slice %arg4[%dma_start3A_162, %dma_start3A_163] : memref<100000x128xf32, #tpu.memory_space<hbm>> -> memref<100000x128xf32, #tpu.memory_space<hbm>>
    tpu.enqueue_indirect_dma source(%dma_start3A_164 : memref<100000x128xf32, #tpu.memory_space<hbm>>) target(%dma_start3A_158 : memref<64x128xf32, #tpu.memory_space<vmem>>) offsets(%dma_start3A_161 : memref<64xi32, #tpu.memory_space<vmem>>) semaphore(%arg15 : memref<!tpu.dma_semaphore, #tpu.memory_space<semaphore_mem>>) {add = true}
    %parallel_loop3A_165 = arith.constant 0 : i32
    %parallel_loop3A_166 = arith.constant 64 : i32
    %parallel_loop3A_167 = arith.constant 1 : i32
    scf.for %parallel_loop3A_306 = %parallel_loop3A_165 to %parallel_loop3A_166 step %parallel_loop3A_167  : i32 {
      %parallel_loop3A_307 = arith.constant 192 : i32
      %parallel_loop3A_308 = arith.addi %parallel_loop3A_307, %parallel_loop3A_306 : i32
      %parallel_loop3A_309 = arith.index_cast %parallel_loop3A_308 : i32 to index
      %parallel_loop3A_310 = arith.constant 0 : index
      %parallel_loop3A_311 = tpu.vector_load %arg9[%parallel_loop3A_309, %parallel_loop3A_310] {strides = array<i32>} : memref<256x16xf32, #tpu.memory_space<vmem>>, vector<1x16xf32>,
      %parallel_loop3A_312 = vector.shape_cast %parallel_loop3A_311 : vector<1x16xf32> to vector<16xf32>
      %parallel_loop3A_313 = arith.index_cast %parallel_loop3A_306 : i32 to index
      %parallel_loop3A_314 = arith.constant 0 : index
      %parallel_loop3A_315 = tpu.vector_load %arg10[%parallel_loop3A_313, %parallel_loop3A_314] {strides = array<i32>} : memref<64x128xf32, #tpu.memory_space<vmem>>, vector<1x16xf32>,
      %parallel_loop3A_316 = vector.shape_cast %parallel_loop3A_315 : vector<1x16xf32> to vector<16xf32>
      %parallel_loop3A_317 = arith.mulf %parallel_loop3A_312, %sub3A : vector<16xf32>
      %parallel_loop3A_318 = arith.addf %get3A_44, %parallel_loop3A_317 : vector<16xf32>
      %parallel_loop3A_319 = arith.addf %parallel_loop3A_316, %parallel_loop3A_318 : vector<16xf32>
      %parallel_loop3A_320 = arith.index_cast %parallel_loop3A_308 : i32 to index
      %parallel_loop3A_321 = arith.constant 0 : index
      %parallel_loop3A_322 = tpu.vector_load %arg11[%parallel_loop3A_320, %parallel_loop3A_321] {strides = array<i32>} : memref<256x128xf32, #tpu.memory_space<vmem>>, vector<1x16xf32>,
      %parallel_loop3A_323 = vector.shape_cast %parallel_loop3A_322 : vector<1x16xf32> to vector<16xf32>
      %parallel_loop3A_324 = vector.shape_cast %parallel_loop3A_319 : vector<16xf32> to vector<1x16xf32>
      tpu.vector_store %arg11[%parallel_loop3A_320, %parallel_loop3A_321], %parallel_loop3A_324 {strides = array<i32>} : memref<256x128xf32, #tpu.memory_space<vmem>>, vector<1x16xf32>,
      %parallel_loop3A_325 = arith.index_cast %parallel_loop3A_306 : i32 to index
      %parallel_loop3A_326 = arith.constant 16 : index
      %parallel_loop3A_327 = tpu.vector_load %arg10[%parallel_loop3A_325, %parallel_loop3A_326] {strides = array<i32>} : memref<64x128xf32, #tpu.memory_space<vmem>>, vector<1x16xf32>,
      %parallel_loop3A_328 = vector.shape_cast %parallel_loop3A_327 : vector<1x16xf32> to vector<16xf32>
      %parallel_loop3A_329 = arith.mulf %parallel_loop3A_312, %sub3A_90 : vector<16xf32>
      %parallel_loop3A_330 = arith.addf %get3A_49, %parallel_loop3A_329 : vector<16xf32>
      %parallel_loop3A_331 = arith.addf %parallel_loop3A_328, %parallel_loop3A_330 : vector<16xf32>
      %parallel_loop3A_332 = arith.index_cast %parallel_loop3A_308 : i32 to index
      %parallel_loop3A_333 = arith.constant 16 : index
      %parallel_loop3A_334 = tpu.vector_load %arg11[%parallel_loop3A_332, %parallel_loop3A_333] {strides = array<i32>} : memref<256x128xf32, #tpu.memory_space<vmem>>, vector<1x16xf32>,
      %parallel_loop3A_335 = vector.shape_cast %parallel_loop3A_334 : vector<1x16xf32> to vector<16xf32>
      %parallel_loop3A_336 = vector.shape_cast %parallel_loop3A_331 : vector<16xf32> to vector<1x16xf32>
      tpu.vector_store %arg11[%parallel_loop3A_332, %parallel_loop3A_333], %parallel_loop3A_336 {strides = array<i32>} : memref<256x128xf32, #tpu.memory_space<vmem>>, vector<1x16xf32>,
      %parallel_loop3A_337 = arith.index_cast %parallel_loop3A_306 : i32 to index
      %parallel_loop3A_338 = arith.constant 32 : index
      %parallel_loop3A_339 = tpu.vector_load %arg10[%parallel_loop3A_337, %parallel_loop3A_338] {strides = array<i32>} : memref<64x128xf32, #tpu.memory_space<vmem>>, vector<1x16xf32>,
      %parallel_loop3A_340 = vector.shape_cast %parallel_loop3A_339 : vector<1x16xf32> to vector<16xf32>
      %parallel_loop3A_341 = arith.mulf %parallel_loop3A_312, %sub3A_96 : vector<16xf32>
      %parallel_loop3A_342 = arith.addf %get3A_54, %parallel_loop3A_341 : vector<16xf32>
      %parallel_loop3A_343 = arith.addf %parallel_loop3A_340, %parallel_loop3A_342 : vector<16xf32>
      %parallel_loop3A_344 = arith.index_cast %parallel_loop3A_308 : i32 to index
      %parallel_loop3A_345 = arith.constant 32 : index
      %parallel_loop3A_346 = tpu.vector_load %arg11[%parallel_loop3A_344, %parallel_loop3A_345] {strides = array<i32>} : memref<256x128xf32, #tpu.memory_space<vmem>>, vector<1x16xf32>,
      %parallel_loop3A_347 = vector.shape_cast %parallel_loop3A_346 : vector<1x16xf32> to vector<16xf32>
      %parallel_loop3A_348 = vector.shape_cast %parallel_loop3A_343 : vector<16xf32> to vector<1x16xf32>
      tpu.vector_store %arg11[%parallel_loop3A_344, %parallel_loop3A_345], %parallel_loop3A_348 {strides = array<i32>} : memref<256x128xf32, #tpu.memory_space<vmem>>, vector<1x16xf32>,
      %parallel_loop3A_349 = arith.index_cast %parallel_loop3A_306 : i32 to index
      %parallel_loop3A_350 = arith.constant 48 : index
      %parallel_loop3A_351 = tpu.vector_load %arg10[%parallel_loop3A_349, %parallel_loop3A_350] {strides = array<i32>} : memref<64x128xf32, #tpu.memory_space<vmem>>, vector<1x16xf32>,
      %parallel_loop3A_352 = vector.shape_cast %parallel_loop3A_351 : vector<1x16xf32> to vector<16xf32>
      %parallel_loop3A_353 = arith.mulf %parallel_loop3A_312, %sub3A_102 : vector<16xf32>
      %parallel_loop3A_354 = arith.addf %get3A_59, %parallel_loop3A_353 : vector<16xf32>
      %parallel_loop3A_355 = arith.addf %parallel_loop3A_352, %parallel_loop3A_354 : vector<16xf32>
      %parallel_loop3A_356 = arith.index_cast %parallel_loop3A_308 : i32 to index
      %parallel_loop3A_357 = arith.constant 48 : index
      %parallel_loop3A_358 = tpu.vector_load %arg11[%parallel_loop3A_356, %parallel_loop3A_357] {strides = array<i32>} : memref<256x128xf32, #tpu.memory_space<vmem>>, vector<1x16xf32>,
      %parallel_loop3A_359 = vector.shape_cast %parallel_loop3A_358 : vector<1x16xf32> to vector<16xf32>
      %parallel_loop3A_360 = vector.shape_cast %parallel_loop3A_355 : vector<16xf32> to vector<1x16xf32>
      tpu.vector_store %arg11[%parallel_loop3A_356, %parallel_loop3A_357], %parallel_loop3A_360 {strides = array<i32>} : memref<256x128xf32, #tpu.memory_space<vmem>>, vector<1x16xf32>,
      %parallel_loop3A_361 = arith.index_cast %parallel_loop3A_306 : i32 to index
      %parallel_loop3A_362 = arith.constant 64 : index
      %parallel_loop3A_363 = tpu.vector_load %arg10[%parallel_loop3A_361, %parallel_loop3A_362] {strides = array<i32>} : memref<64x128xf32, #tpu.memory_space<vmem>>, vector<1x16xf32>,
      %parallel_loop3A_364 = vector.shape_cast %parallel_loop3A_363 : vector<1x16xf32> to vector<16xf32>
      %parallel_loop3A_365 = arith.mulf %parallel_loop3A_312, %sub3A_108 : vector<16xf32>
      %parallel_loop3A_366 = arith.addf %get3A_64, %parallel_loop3A_365 : vector<16xf32>
      %parallel_loop3A_367 = arith.addf %parallel_loop3A_364, %parallel_loop3A_366 : vector<16xf32>
      %parallel_loop3A_368 = arith.index_cast %parallel_loop3A_308 : i32 to index
      %parallel_loop3A_369 = arith.constant 64 : index
      %parallel_loop3A_370 = tpu.vector_load %arg11[%parallel_loop3A_368, %parallel_loop3A_369] {strides = array<i32>} : memref<256x128xf32, #tpu.memory_space<vmem>>, vector<1x16xf32>,
      %parallel_loop3A_371 = vector.shape_cast %parallel_loop3A_370 : vector<1x16xf32> to vector<16xf32>
      %parallel_loop3A_372 = vector.shape_cast %parallel_loop3A_367 : vector<16xf32> to vector<1x16xf32>
      tpu.vector_store %arg11[%parallel_loop3A_368, %parallel_loop3A_369], %parallel_loop3A_372 {strides = array<i32>} : memref<256x128xf32, #tpu.memory_space<vmem>>, vector<1x16xf32>,
      %parallel_loop3A_373 = arith.index_cast %parallel_loop3A_306 : i32 to index
      %parallel_loop3A_374 = arith.constant 80 : index
      %parallel_loop3A_375 = tpu.vector_load %arg10[%parallel_loop3A_373, %parallel_loop3A_374] {strides = array<i32>} : memref<64x128xf32, #tpu.memory_space<vmem>>, vector<1x16xf32>,
      %parallel_loop3A_376 = vector.shape_cast %parallel_loop3A_375 : vector<1x16xf32> to vector<16xf32>
      %parallel_loop3A_377 = arith.mulf %parallel_loop3A_312, %sub3A_114 : vector<16xf32>
      %parallel_loop3A_378 = arith.addf %get3A_69, %parallel_loop3A_377 : vector<16xf32>
      %parallel_loop3A_379 = arith.addf %parallel_loop3A_376, %parallel_loop3A_378 : vector<16xf32>
      %parallel_loop3A_380 = arith.index_cast %parallel_loop3A_308 : i32 to index
      %parallel_loop3A_381 = arith.constant 80 : index
      %parallel_loop3A_382 = tpu.vector_load %arg11[%parallel_loop3A_380, %parallel_loop3A_381] {strides = array<i32>} : memref<256x128xf32, #tpu.memory_space<vmem>>, vector<1x16xf32>,
      %parallel_loop3A_383 = vector.shape_cast %parallel_loop3A_382 : vector<1x16xf32> to vector<16xf32>
      %parallel_loop3A_384 = vector.shape_cast %parallel_loop3A_379 : vector<16xf32> to vector<1x16xf32>
      tpu.vector_store %arg11[%parallel_loop3A_380, %parallel_loop3A_381], %parallel_loop3A_384 {strides = array<i32>} : memref<256x128xf32, #tpu.memory_space<vmem>>, vector<1x16xf32>,
      %parallel_loop3A_385 = arith.index_cast %parallel_loop3A_306 : i32 to index
      %parallel_loop3A_386 = arith.constant 96 : index
      %parallel_loop3A_387 = tpu.vector_load %arg10[%parallel_loop3A_385, %parallel_loop3A_386] {strides = array<i32>} : memref<64x128xf32, #tpu.memory_space<vmem>>, vector<1x16xf32>,
      %parallel_loop3A_388 = vector.shape_cast %parallel_loop3A_387 : vector<1x16xf32> to vector<16xf32>
      %parallel_loop3A_389 = arith.mulf %parallel_loop3A_312, %sub3A_120 : vector<16xf32>
      %parallel_loop3A_390 = arith.addf %get3A_74, %parallel_loop3A_389 : vector<16xf32>
      %parallel_loop3A_391 = arith.addf %parallel_loop3A_388, %parallel_loop3A_390 : vector<16xf32>
      %parallel_loop3A_392 = arith.index_cast %parallel_loop3A_308 : i32 to index
      %parallel_loop3A_393 = arith.constant 96 : index
      %parallel_loop3A_394 = tpu.vector_load %arg11[%parallel_loop3A_392, %parallel_loop3A_393] {strides = array<i32>} : memref<256x128xf32, #tpu.memory_space<vmem>>, vector<1x16xf32>,
      %parallel_loop3A_395 = vector.shape_cast %parallel_loop3A_394 : vector<1x16xf32> to vector<16xf32>
      %parallel_loop3A_396 = vector.shape_cast %parallel_loop3A_391 : vector<16xf32> to vector<1x16xf32>
      tpu.vector_store %arg11[%parallel_loop3A_392, %parallel_loop3A_393], %parallel_loop3A_396 {strides = array<i32>} : memref<256x128xf32, #tpu.memory_space<vmem>>, vector<1x16xf32>,
      %parallel_loop3A_397 = arith.index_cast %parallel_loop3A_306 : i32 to index
      %parallel_loop3A_398 = arith.constant 112 : index
      %parallel_loop3A_399 = tpu.vector_load %arg10[%parallel_loop3A_397, %parallel_loop3A_398] {strides = array<i32>} : memref<64x128xf32, #tpu.memory_space<vmem>>, vector<1x16xf32>,
      %parallel_loop3A_400 = vector.shape_cast %parallel_loop3A_399 : vector<1x16xf32> to vector<16xf32>
      %parallel_loop3A_401 = arith.mulf %parallel_loop3A_312, %sub3A_126 : vector<16xf32>
      %parallel_loop3A_402 = arith.addf %get3A_79, %parallel_loop3A_401 : vector<16xf32>
      %parallel_loop3A_403 = arith.addf %parallel_loop3A_400, %parallel_loop3A_402 : vector<16xf32>
      %parallel_loop3A_404 = arith.index_cast %parallel_loop3A_308 : i32 to index
      %parallel_loop3A_405 = arith.constant 112 : index
      %parallel_loop3A_406 = tpu.vector_load %arg11[%parallel_loop3A_404, %parallel_loop3A_405] {strides = array<i32>} : memref<256x128xf32, #tpu.memory_space<vmem>>, vector<1x16xf32>,
      %parallel_loop3A_407 = vector.shape_cast %parallel_loop3A_406 : vector<1x16xf32> to vector<16xf32>
      %parallel_loop3A_408 = vector.shape_cast %parallel_loop3A_403 : vector<16xf32> to vector<1x16xf32>
      tpu.vector_store %arg11[%parallel_loop3A_404, %parallel_loop3A_405], %parallel_loop3A_408 {strides = array<i32>} : memref<256x128xf32, #tpu.memory_space<vmem>>, vector<1x16xf32>,
    } {sc.loop_unroll_factor = 2 : i64, sc.parallel_access}
    %dma_start3A_168 = arith.constant 3 : i32
    %dma_start3A_169 = arith.constant 192 : i32
    %dma_start3A_170 = arith.constant 0 : i32
    %dma_start3A_171 = tpu.memref_slice %arg11[%dma_start3A_169, %dma_start3A_170] : memref<256x128xf32, #tpu.memory_space<vmem>> -> memref<64x128xf32, #tpu.memory_space<vmem>>
    %dma_start3A_172 = arith.constant 0 : i32
    %dma_start3A_173 = tpu.memref_slice %arg8[%dma_start3A_168, %dma_start3A_172] : memref<4x64xi32, #tpu.memory_space<vmem>> -> memref<1x64xi32, #tpu.memory_space<vmem>>
    %dma_start3A_174 = tpu.memref_squeeze %dma_start3A_173 : memref<1x64xi32, #tpu.memory_space<vmem>> -> memref<64xi32, #tpu.memory_space<vmem>>
    %dma_start3A_175 = arith.constant 0 : i32
    %dma_start3A_176 = arith.constant 0 : i32
    %dma_start3A_177 = tpu.memref_slice %arg4[%dma_start3A_175, %dma_start3A_176] : memref<100000x128xf32, #tpu.memory_space<hbm>> -> memref<100000x128xf32, #tpu.memory_space<hbm>>
    tpu.enqueue_indirect_dma source(%dma_start3A_177 : memref<100000x128xf32, #tpu.memory_space<hbm>>) target(%dma_start3A_171 : memref<64x128xf32, #tpu.memory_space<vmem>>) offsets(%dma_start3A_174 : memref<64xi32, #tpu.memory_space<vmem>>) semaphore(%arg16 : memref<!tpu.dma_semaphore, #tpu.memory_space<semaphore_mem>>) {add = true}
    %dma_wait3A_178 = arith.constant 0 : i32
    %dma_wait3A_179 = arith.constant 0 : i32
    %dma_wait3A_180 = arith.constant 0 : i32
    %dma_wait3A_181 = tpu.memref_slice %arg11[%dma_wait3A_179, %dma_wait3A_180] : memref<256x128xf32, #tpu.memory_space<vmem>> -> memref<64x128xf32, #tpu.memory_space<vmem>>
    %dma_wait3A_182 = arith.constant 0 : i32
    %dma_wait3A_183 = tpu.memref_slice %arg8[%dma_wait3A_178, %dma_wait3A_182] : memref<4x64xi32, #tpu.memory_space<vmem>> -> memref<1x64xi32, #tpu.memory_space<vmem>>
    %dma_wait3A_184 = tpu.memref_squeeze %dma_wait3A_183 : memref<1x64xi32, #tpu.memory_space<vmem>> -> memref<64xi32, #tpu.memory_space<vmem>>
    %dma_wait3A_185 = arith.constant 0 : i32
    %dma_wait3A_186 = arith.constant 0 : i32
    %dma_wait3A_187 = tpu.memref_slice %arg4[%dma_wait3A_185, %dma_wait3A_186] : memref<100000x128xf32, #tpu.memory_space<hbm>> -> memref<100000x128xf32, #tpu.memory_space<hbm>>
    tpu.wait_indirect_dma semaphore(%arg13 : memref<!tpu.dma_semaphore, #tpu.memory_space<semaphore_mem>>) src(%dma_wait3A_187 : memref<100000x128xf32, #tpu.memory_space<hbm>>) dst(%dma_wait3A_181 : memref<64x128xf32, #tpu.memory_space<vmem>>)
    %add3A_188 = arith.constant 0 : i32
    %add3A_189 = arith.addi %add3A_188, %mul3A_2 : i32
    %dma_start3A_190 = arith.constant 0 : i32
    %dma_start3A_191 = arith.constant 0 : i32
    %dma_start3A_192 = tpu.memref_slice %arg11[%dma_start3A_190, %dma_start3A_191] : memref<256x128xf32, #tpu.memory_space<vmem>> -> memref<64x128xf32, #tpu.memory_space<vmem>>
    %dma_start3A_193 = arith.constant 0 : i32
    %dma_start3A_194 = tpu.memref_slice %arg7[%add3A_189, %dma_start3A_193] : memref<8192x128xf32, #tpu.memory_space<hbm>> -> memref<64x128xf32, #tpu.memory_space<hbm>>
    %dma_start3A_195 = arith.constant 0 : i32
    %dma_start3A_196 = tpu.memref_slice %arg7[%add3A_189, %dma_start3A_195] : memref<8192x128xf32, #tpu.memory_space<hbm>> -> memref<64x128xf32, #tpu.memory_space<hbm>>
    %dma_start3A_197 = arith.constant 0 : i32
    %dma_start3A_198 = arith.constant 0 : i32
    %dma_start3A_199 = tpu.memref_slice %arg11[%dma_start3A_197, %dma_start3A_198] : memref<256x128xf32, #tpu.memory_space<vmem>> -> memref<64x128xf32, #tpu.memory_space<vmem>>
    tpu.enqueue_dma source(%dma_start3A_199 : memref<64x128xf32, #tpu.memory_space<vmem>>) target(%dma_start3A_196 : memref<64x128xf32, #tpu.memory_space<hbm>>) target_semaphore(%arg18 : memref<!tpu.dma_semaphore, #tpu.memory_space<semaphore_mem>>)
    %dma_wait3A_200 = arith.constant 1 : i32
    %dma_wait3A_201 = arith.constant 64 : i32
    %dma_wait3A_202 = arith.constant 0 : i32
    %dma_wait3A_203 = tpu.memref_slice %arg11[%dma_wait3A_201, %dma_wait3A_202] : memref<256x128xf32, #tpu.memory_space<vmem>> -> memref<64x128xf32, #tpu.memory_space<vmem>>
    %dma_wait3A_204 = arith.constant 0 : i32
    %dma_wait3A_205 = tpu.memref_slice %arg8[%dma_wait3A_200, %dma_wait3A_204] : memref<4x64xi32, #tpu.memory_space<vmem>> -> memref<1x64xi32, #tpu.memory_space<vmem>>
    %dma_wait3A_206 = tpu.memref_squeeze %dma_wait3A_205 : memref<1x64xi32, #tpu.memory_space<vmem>> -> memref<64xi32, #tpu.memory_space<vmem>>
    %dma_wait3A_207 = arith.constant 0 : i32
    %dma_wait3A_208 = arith.constant 0 : i32
    %dma_wait3A_209 = tpu.memref_slice %arg4[%dma_wait3A_207, %dma_wait3A_208] : memref<100000x128xf32, #tpu.memory_space<hbm>> -> memref<100000x128xf32, #tpu.memory_space<hbm>>
    tpu.wait_indirect_dma semaphore(%arg14 : memref<!tpu.dma_semaphore, #tpu.memory_space<semaphore_mem>>) src(%dma_wait3A_209 : memref<100000x128xf32, #tpu.memory_space<hbm>>) dst(%dma_wait3A_203 : memref<64x128xf32, #tpu.memory_space<vmem>>)
    %add3A_210 = arith.constant 2048 : i32
    %add3A_211 = arith.addi %add3A_210, %mul3A_2 : i32
    %dma_start3A_212 = arith.constant 64 : i32
    %dma_start3A_213 = arith.constant 0 : i32
    %dma_start3A_214 = tpu.memref_slice %arg11[%dma_start3A_212, %dma_start3A_213] : memref<256x128xf32, #tpu.memory_space<vmem>> -> memref<64x128xf32, #tpu.memory_space<vmem>>
    %dma_start3A_215 = arith.constant 0 : i32
    %dma_start3A_216 = tpu.memref_slice %arg7[%add3A_211, %dma_start3A_215] : memref<8192x128xf32, #tpu.memory_space<hbm>> -> memref<64x128xf32, #tpu.memory_space<hbm>>
    %dma_start3A_217 = arith.constant 0 : i32
    %dma_start3A_218 = tpu.memref_slice %arg7[%add3A_211, %dma_start3A_217] : memref<8192x128xf32, #tpu.memory_space<hbm>> -> memref<64x128xf32, #tpu.memory_space<hbm>>
    %dma_start3A_219 = arith.constant 64 : i32
    %dma_start3A_220 = arith.constant 0 : i32
    %dma_start3A_221 = tpu.memref_slice %arg11[%dma_start3A_219, %dma_start3A_220] : memref<256x128xf32, #tpu.memory_space<vmem>> -> memref<64x128xf32, #tpu.memory_space<vmem>>
    tpu.enqueue_dma source(%dma_start3A_221 : memref<64x128xf32, #tpu.memory_space<vmem>>) target(%dma_start3A_218 : memref<64x128xf32, #tpu.memory_space<hbm>>) target_semaphore(%arg18 : memref<!tpu.dma_semaphore, #tpu.memory_space<semaphore_mem>>)
    %dma_wait3A_222 = arith.constant 2 : i32
    %dma_wait3A_223 = arith.constant 128 : i32
    %dma_wait3A_224 = arith.constant 0 : i32
    %dma_wait3A_225 = tpu.memref_slice %arg11[%dma_wait3A_223, %dma_wait3A_224] : memref<256x128xf32, #tpu.memory_space<vmem>> -> memref<64x128xf32, #tpu.memory_space<vmem>>
    %dma_wait3A_226 = arith.constant 0 : i32
    %dma_wait3A_227 = tpu.memref_slice %arg8[%dma_wait3A_222, %dma_wait3A_226] : memref<4x64xi32, #tpu.memory_space<vmem>> -> memref<1x64xi32, #tpu.memory_space<vmem>>
    %dma_wait3A_228 = tpu.memref_squeeze %dma_wait3A_227 : memref<1x64xi32, #tpu.memory_space<vmem>> -> memref<64xi32, #tpu.memory_space<vmem>>
    %dma_wait3A_229 = arith.constant 0 : i32
    %dma_wait3A_230 = arith.constant 0 : i32
    %dma_wait3A_231 = tpu.memref_slice %arg4[%dma_wait3A_229, %dma_wait3A_230] : memref<100000x128xf32, #tpu.memory_space<hbm>> -> memref<100000x128xf32, #tpu.memory_space<hbm>>
    tpu.wait_indirect_dma semaphore(%arg15 : memref<!tpu.dma_semaphore, #tpu.memory_space<semaphore_mem>>) src(%dma_wait3A_231 : memref<100000x128xf32, #tpu.memory_space<hbm>>) dst(%dma_wait3A_225 : memref<64x128xf32, #tpu.memory_space<vmem>>)
    %add3A_232 = arith.constant 4096 : i32
    %add3A_233 = arith.addi %add3A_232, %mul3A_2 : i32
    %dma_start3A_234 = arith.constant 128 : i32
    %dma_start3A_235 = arith.constant 0 : i32
    %dma_start3A_236 = tpu.memref_slice %arg11[%dma_start3A_234, %dma_start3A_235] : memref<256x128xf32, #tpu.memory_space<vmem>> -> memref<64x128xf32, #tpu.memory_space<vmem>>
    %dma_start3A_237 = arith.constant 0 : i32
    %dma_start3A_238 = tpu.memref_slice %arg7[%add3A_233, %dma_start3A_237] : memref<8192x128xf32, #tpu.memory_space<hbm>> -> memref<64x128xf32, #tpu.memory_space<hbm>>
    %dma_start3A_239 = arith.constant 0 : i32
    %dma_start3A_240 = tpu.memref_slice %arg7[%add3A_233, %dma_start3A_239] : memref<8192x128xf32, #tpu.memory_space<hbm>> -> memref<64x128xf32, #tpu.memory_space<hbm>>
    %dma_start3A_241 = arith.constant 128 : i32
    %dma_start3A_242 = arith.constant 0 : i32
    %dma_start3A_243 = tpu.memref_slice %arg11[%dma_start3A_241, %dma_start3A_242] : memref<256x128xf32, #tpu.memory_space<vmem>> -> memref<64x128xf32, #tpu.memory_space<vmem>>
    tpu.enqueue_dma source(%dma_start3A_243 : memref<64x128xf32, #tpu.memory_space<vmem>>) target(%dma_start3A_240 : memref<64x128xf32, #tpu.memory_space<hbm>>) target_semaphore(%arg18 : memref<!tpu.dma_semaphore, #tpu.memory_space<semaphore_mem>>)
    %dma_wait3A_244 = arith.constant 3 : i32
    %dma_wait3A_245 = arith.constant 192 : i32
    %dma_wait3A_246 = arith.constant 0 : i32
    %dma_wait3A_247 = tpu.memref_slice %arg11[%dma_wait3A_245, %dma_wait3A_246] : memref<256x128xf32, #tpu.memory_space<vmem>> -> memref<64x128xf32, #tpu.memory_space<vmem>>
    %dma_wait3A_248 = arith.constant 0 : i32
    %dma_wait3A_249 = tpu.memref_slice %arg8[%dma_wait3A_244, %dma_wait3A_248] : memref<4x64xi32, #tpu.memory_space<vmem>> -> memref<1x64xi32, #tpu.memory_space<vmem>>
    %dma_wait3A_250 = tpu.memref_squeeze %dma_wait3A_249 : memref<1x64xi32, #tpu.memory_space<vmem>> -> memref<64xi32, #tpu.memory_space<vmem>>
    %dma_wait3A_251 = arith.constant 0 : i32
    %dma_wait3A_252 = arith.constant 0 : i32
    %dma_wait3A_253 = tpu.memref_slice %arg4[%dma_wait3A_251, %dma_wait3A_252] : memref<100000x128xf32, #tpu.memory_space<hbm>> -> memref<100000x128xf32, #tpu.memory_space<hbm>>
    tpu.wait_indirect_dma semaphore(%arg16 : memref<!tpu.dma_semaphore, #tpu.memory_space<semaphore_mem>>) src(%dma_wait3A_253 : memref<100000x128xf32, #tpu.memory_space<hbm>>) dst(%dma_wait3A_247 : memref<64x128xf32, #tpu.memory_space<vmem>>)
    %add3A_254 = arith.constant 6144 : i32
    %add3A_255 = arith.addi %add3A_254, %mul3A_2 : i32
    %dma_start3A_256 = arith.constant 192 : i32
    %dma_start3A_257 = arith.constant 0 : i32
    %dma_start3A_258 = tpu.memref_slice %arg11[%dma_start3A_256, %dma_start3A_257] : memref<256x128xf32, #tpu.memory_space<vmem>> -> memref<64x128xf32, #tpu.memory_space<vmem>>
    %dma_start3A_259 = arith.constant 0 : i32
    %dma_start3A_260 = tpu.memref_slice %arg7[%add3A_255, %dma_start3A_259] : memref<8192x128xf32, #tpu.memory_space<hbm>> -> memref<64x128xf32, #tpu.memory_space<hbm>>
    %dma_start3A_261 = arith.constant 0 : i32
    %dma_start3A_262 = tpu.memref_slice %arg7[%add3A_255, %dma_start3A_261] : memref<8192x128xf32, #tpu.memory_space<hbm>> -> memref<64x128xf32, #tpu.memory_space<hbm>>
    %dma_start3A_263 = arith.constant 192 : i32
    %dma_start3A_264 = arith.constant 0 : i32
    %dma_start3A_265 = tpu.memref_slice %arg11[%dma_start3A_263, %dma_start3A_264] : memref<256x128xf32, #tpu.memory_space<vmem>> -> memref<64x128xf32, #tpu.memory_space<vmem>>
    tpu.enqueue_dma source(%dma_start3A_265 : memref<64x128xf32, #tpu.memory_space<vmem>>) target(%dma_start3A_262 : memref<64x128xf32, #tpu.memory_space<hbm>>) target_semaphore(%arg18 : memref<!tpu.dma_semaphore, #tpu.memory_space<semaphore_mem>>)
    %dma_wait3A_266 = arith.constant 0 : i32
    %dma_wait3A_267 = arith.constant 0 : i32
    %dma_wait3A_268 = tpu.memref_slice %arg11[%dma_wait3A_266, %dma_wait3A_267] : memref<256x128xf32, #tpu.memory_space<vmem>> -> memref<64x128xf32, #tpu.memory_space<vmem>>
    %dma_wait3A_269 = arith.constant 0 : i32
    %dma_wait3A_270 = tpu.memref_slice %arg7[%add3A_189, %dma_wait3A_269] : memref<8192x128xf32, #tpu.memory_space<hbm>> -> memref<64x128xf32, #tpu.memory_space<hbm>>
    %dma_wait3A_271 = arith.constant 0 : i32
    %dma_wait3A_272 = tpu.memref_slice %arg7[%add3A_189, %dma_wait3A_271] : memref<8192x128xf32, #tpu.memory_space<hbm>> -> memref<64x128xf32, #tpu.memory_space<hbm>>
    %dma_wait3A_273 = arith.constant 0 : i32
    %dma_wait3A_274 = arith.constant 0 : i32
    %dma_wait3A_275 = tpu.memref_slice %arg11[%dma_wait3A_273, %dma_wait3A_274] : memref<256x128xf32, #tpu.memory_space<vmem>> -> memref<64x128xf32, #tpu.memory_space<vmem>>
    tpu.wait_dma2 semaphore(%arg18 : memref<!tpu.dma_semaphore, #tpu.memory_space<semaphore_mem>>) src(%dma_wait3A_275 : memref<64x128xf32, #tpu.memory_space<vmem>>) dst(%dma_wait3A_272 : memref<64x128xf32, #tpu.memory_space<hbm>>)
    %dma_wait3A_276 = arith.constant 64 : i32
    %dma_wait3A_277 = arith.constant 0 : i32
    %dma_wait3A_278 = tpu.memref_slice %arg11[%dma_wait3A_276, %dma_wait3A_277] : memref<256x128xf32, #tpu.memory_space<vmem>> -> memref<64x128xf32, #tpu.memory_space<vmem>>
    %dma_wait3A_279 = arith.constant 0 : i32
    %dma_wait3A_280 = tpu.memref_slice %arg7[%add3A_211, %dma_wait3A_279] : memref<8192x128xf32, #tpu.memory_space<hbm>> -> memref<64x128xf32, #tpu.memory_space<hbm>>
    %dma_wait3A_281 = arith.constant 0 : i32
    %dma_wait3A_282 = tpu.memref_slice %arg7[%add3A_211, %dma_wait3A_281] : memref<8192x128xf32, #tpu.memory_space<hbm>> -> memref<64x128xf32, #tpu.memory_space<hbm>>
    %dma_wait3A_283 = arith.constant 64 : i32
    %dma_wait3A_284 = arith.constant 0 : i32
    %dma_wait3A_285 = tpu.memref_slice %arg11[%dma_wait3A_283, %dma_wait3A_284] : memref<256x128xf32, #tpu.memory_space<vmem>> -> memref<64x128xf32, #tpu.memory_space<vmem>>
    tpu.wait_dma2 semaphore(%arg18 : memref<!tpu.dma_semaphore, #tpu.memory_space<semaphore_mem>>) src(%dma_wait3A_285 : memref<64x128xf32, #tpu.memory_space<vmem>>) dst(%dma_wait3A_282 : memref<64x128xf32, #tpu.memory_space<hbm>>)
    %dma_wait3A_286 = arith.constant 128 : i32
    %dma_wait3A_287 = arith.constant 0 : i32
    %dma_wait3A_288 = tpu.memref_slice %arg11[%dma_wait3A_286, %dma_wait3A_287] : memref<256x128xf32, #tpu.memory_space<vmem>> -> memref<64x128xf32, #tpu.memory_space<vmem>>
    %dma_wait3A_289 = arith.constant 0 : i32
    %dma_wait3A_290 = tpu.memref_slice %arg7[%add3A_233, %dma_wait3A_289] : memref<8192x128xf32, #tpu.memory_space<hbm>> -> memref<64x128xf32, #tpu.memory_space<hbm>>
    %dma_wait3A_291 = arith.constant 0 : i32
    %dma_wait3A_292 = tpu.memref_slice %arg7[%add3A_233, %dma_wait3A_291] : memref<8192x128xf32, #tpu.memory_space<hbm>> -> memref<64x128xf32, #tpu.memory_space<hbm>>
    %dma_wait3A_293 = arith.constant 128 : i32
    %dma_wait3A_294 = arith.constant 0 : i32
    %dma_wait3A_295 = tpu.memref_slice %arg11[%dma_wait3A_293, %dma_wait3A_294] : memref<256x128xf32, #tpu.memory_space<vmem>> -> memref<64x128xf32, #tpu.memory_space<vmem>>
    tpu.wait_dma2 semaphore(%arg18 : memref<!tpu.dma_semaphore, #tpu.memory_space<semaphore_mem>>) src(%dma_wait3A_295 : memref<64x128xf32, #tpu.memory_space<vmem>>) dst(%dma_wait3A_292 : memref<64x128xf32, #tpu.memory_space<hbm>>)
    %dma_wait3A_296 = arith.constant 192 : i32
    %dma_wait3A_297 = arith.constant 0 : i32
    %dma_wait3A_298 = tpu.memref_slice %arg11[%dma_wait3A_296, %dma_wait3A_297] : memref<256x128xf32, #tpu.memory_space<vmem>> -> memref<64x128xf32, #tpu.memory_space<vmem>>
    %dma_wait3A_299 = arith.constant 0 : i32
    %dma_wait3A_300 = tpu.memref_slice %arg7[%add3A_255, %dma_wait3A_299] : memref<8192x128xf32, #tpu.memory_space<hbm>> -> memref<64x128xf32, #tpu.memory_space<hbm>>
    %dma_wait3A_301 = arith.constant 0 : i32
    %dma_wait3A_302 = tpu.memref_slice %arg7[%add3A_255, %dma_wait3A_301] : memref<8192x128xf32, #tpu.memory_space<hbm>> -> memref<64x128xf32, #tpu.memory_space<hbm>>
    %dma_wait3A_303 = arith.constant 192 : i32
    %dma_wait3A_304 = arith.constant 0 : i32
    %dma_wait3A_305 = tpu.memref_slice %arg11[%dma_wait3A_303, %dma_wait3A_304] : memref<256x128xf32, #tpu.memory_space<vmem>> -> memref<64x128xf32, #tpu.memory_space<vmem>>
    tpu.wait_dma2 semaphore(%arg18 : memref<!tpu.dma_semaphore, #tpu.memory_space<semaphore_mem>>) src(%dma_wait3A_305 : memref<64x128xf32, #tpu.memory_space<vmem>>) dst(%dma_wait3A_302 : memref<64x128xf32, #tpu.memory_space<hbm>>)
    return
  }
}

</mosaic_0001>

<sc_bundles>
// kernel: _run.3.cloned.1.call-start
scs
__scs_entry_jumppad:
0x0: {  	(pc) =	sbr.rel $0x88, $3  }
0x1: {  	(tag) =	ssettag $0x0;
	lr =	simm.s32 $0x1  }
0x2: {  	[smem:$0x3F9C] =	sst lr;
	_ =	strace $0xD0000000  }
0x3: {  	_ = 	snop  }
0x4: {  	_ = 	snop  }
0x5: {  	_ = 	snop  }
0x6: {  	_ = 	snop  }
0x7: {  	_ = 	snop  }
__scs_overlays_trampoline_lowered:
0x8: {  	[smem:$0x3FAB] =	sst s0  }
0x9: {  	[smem:$0x3FAC] =	sst s1  }
0xa: {  	[smem:$0x3FAD] =	sst s2  }
0xb: {  	[smem:$0x3FAE] =	sst s3  }
0xc: {  	[smem:$0x3FAF] =	sst s4  }
0xd: {  	[smem:$0x3FB0] =	sst s5  }
0xe: {  	[smem:$0x3FB1] =	sst s6  }
0xf: {  	[smem:$0x3FB2] =	sst s7  }
0x10: {  	[smem:$0x3FB3] =	sst s8  }
0x11: {  	[smem:$0x3FB4] =	sst s9;
	s0 =	simm.s32 @!p0 $0x0  }
0x12: {  	s1 =	sld [smem:$0x3F9A];
	s0 =	simm.s32 @p0 $0x1  }
0x13: {  	[smem:$0x3FB5] =	sst s0;
	s0 =	simm.s32 @!p1 $0x0  }
0x14: {  	s2 =	sld [smem:$0x3F99];
	s0 =	simm.s32 @p1 $0x1  }
0x15: {  	[smem:$0x3FB6] =	sst s0;
	s0 =	simm.s32 @!p2 $0x0  }
0x16: {  	s3 =	sld [smem:$0x3FDB];
	s0 =	simm.s32 @p2 $0x1  }
0x17: {  	s4 =	simm.s32 $0x1BF5;
	[smem:$0x3FB8] =	sst s0  }
0x18: {  	s0 =	sld [smem:$0x3F9B];
	_ =	swait.ge [sflag:s4], $0x0  }
0x19: {  	s7 =	sld [smem:$0x3F9C]  }
0x1a: {  	s8 =	sadd.s32 $0xFFFFE003, lr  }
0x1b: {  	s9 =	sadd.s32 $0xFFFFFEF7, lr;
	s5 =	simm.s32 $0xFFFFFFFF;
	p2 =	slt.u32 s8, $0xFFFFF086  }
0x1c: {  	p1 =	slt.u32 s9, $0xF7A;
	s5 =	simm.s32 @!p2 $0x0  }
0x1d: {  	s5 =	simm.s32 @p1 $0x1;
	p0 =	seq.s32 s7, s2  }
0x1e: {  	s7 =	smul.u32 @!p0 $0xF7A, s2;
	p2 =	seq.s32 @!p0 s5, $0x0  }
0x1f: {  	s9 =	smul.u32 $0xF7A, s1;
	s8 =	simm.s32 @!p0 $0x1BF5;
	p2 =	por !p2, p0  }
0x20: {  	[sflag:s8] =	ssyncset.s32 @!p0 $0xFFFFF086;
	s6 =	sadd.s32 @!p0 s3, s7;
	s7 =	simm.s32 @!p0 $0x108  }
0x21: {  	s3 =	sadd.s32 s3, s9;
	s6 =	sadd.s32 @!p0 $0x88, s6;
	s7 =	simm.s32 @p2 $0x1082  }
0x22: {  	[simem:s7], [sflag:s8] =	dma.local @!p0 [hbm:s6], $0xF7A  }
0x23: {  	s9 =	sor.u32 $0xD0000000, s2;
	s6 =	simm.s32 $0x108;
	_ =	swait.ge @!p0 [sflag:s8], $0x0  }
0x24: {  	s3 =	sadd.s32 $0x88, s3;
	s6 =	simm.s32 @!p1 $0x1082;
	[sflag:s4] =	ssyncset.s32 $0xFFFFF086  }
0x25: {  	[simem:s6], [sflag:s4] =	dma.local [hbm:s3], $0xF7A  }
0x26: {  	[smem:$0x3F9C] =	sst s1;
	(tag) =	ssettag s2;
	_ =	strace s9  }
0x27: {  	s1 =	sld [smem:$0x3FAC]  }
0x28: {  	s2 =	sld [smem:$0x3FAD]  }
0x29: {  	s4 =	sld [smem:$0x3FAF]  }
0x2a: {  	p0 =	seq.s32 s5, $0x0;
	s5 =	sld [smem:$0x3FB0]  }
0x2b: {  	s6 =	sld [smem:$0x3FB1]  }
0x2c: {  	s7 =	sld [smem:$0x3FB2]  }
0x2d: {  	s3 =	simm.s32 $0x108;
	s8 =	sld [smem:$0x3FB3]  }
0x2e: {  	s3 =	simm.s32 @!p0 $0x1082;
	s9 =	sld [smem:$0x3FB4]  }
0x2f: {  	lr =	sadd.s32 s0, s3;
	s0 =	sld [smem:$0x3FAB]  }
0x30: {  	s3 =	sld [smem:$0x3FAE]  }
0x31: {  	[smem:$0x3FB7] =	sst s10  }
0x32: {  	s10 =	sld [smem:$0x3FB5];
	_ =	sdelay $0x3  }
0x33: {  	p0 =	seq.s32 s10, $0x1;
	s10 =	sld [smem:$0x3FB7];
	_ =	sdelay $0x3  }
0x34: {  	[smem:$0x3FB7] =	sst s10  }
0x35: {  	s10 =	sld [smem:$0x3FB6];
	_ =	sdelay $0x3  }
0x36: {  	p1 =	seq.s32 s10, $0x1;
	s10 =	sld [smem:$0x3FB7];
	_ =	sdelay $0x3  }
0x37: {  	[smem:$0x3FB7] =	sst s10  }
0x38: {  	s10 =	sld [smem:$0x3FB8]  }
0x39: {  	_ = 	snop;
	(pc) =	sbr.ind lr, $3  }
0x3a: {  	_ = 	snop  }
0x3b: {  	_ = 	snop  }
0x3c: {  	p2 =	seq.s32 s10, $0x1;
	s10 =	sld [smem:$0x3FB7]  }
0x3d: {  	_ =	shalt  }
0x3e: {  	_ =	shalt  }
0x3f: {  	_ =	shalt  }
0x40: {  	_ =	shalt  }
0x41: {  	_ =	shalt  }
0x42: {  	_ =	shalt  }
0x43: {  	_ =	shalt  }
0x44: {  	_ =	shalt  }
0x45: {  	_ =	shalt  }
0x46: {  	_ =	shalt  }
0x47: {  	_ =	shalt  }
0x48: {  	_ =	shalt  }
0x49: {  	_ =	shalt  }
0x4a: {  	_ =	shalt  }
0x4b: {  	_ =	shalt  }
0x4c: {  	_ =	shalt  }
0x4d: {  	_ =	shalt  }
0x4e: {  	_ =	shalt  }
0x4f: {  	_ =	shalt  }
0x50: {  	_ =	shalt  }
0x51: {  	_ =	shalt  }
0x52: {  	_ =	shalt  }
0x53: {  	_ =	shalt  }
0x54: {  	_ =	shalt  }
0x55: {  	_ =	shalt  }
0x56: {  	_ =	shalt  }
0x57: {  	_ =	shalt  }
0x58: {  	_ =	shalt  }
0x59: {  	_ =	shalt  }
0x5a: {  	_ =	shalt  }
0x5b: {  	_ =	shalt  }
0x5c: {  	_ =	shalt  }
0x5d: {  	_ =	shalt  }
0x5e: {  	_ =	shalt  }
0x5f: {  	_ =	shalt  }
0x60: {  	_ =	shalt  }
0x61: {  	_ =	shalt  }
0x62: {  	_ =	shalt  }
0x63: {  	_ =	shalt  }
0x64: {  	_ =	shalt  }
0x65: {  	_ =	shalt  }
0x66: {  	_ =	shalt  }
0x67: {  	_ =	shalt  }
0x68: {  	_ =	shalt  }
0x69: {  	_ =	shalt  }
0x6a: {  	_ =	shalt  }
0x6b: {  	_ =	shalt  }
0x6c: {  	_ =	shalt  }
0x6d: {  	_ =	shalt  }
0x6e: {  	_ =	shalt  }
0x6f: {  	_ =	shalt  }
0x70: {  	_ =	shalt  }
0x71: {  	_ =	shalt  }
0x72: {  	_ =	shalt  }
0x73: {  	_ =	shalt  }
0x74: {  	_ =	shalt  }
0x75: {  	_ =	shalt  }
0x76: {  	_ =	shalt  }
0x77: {  	_ =	shalt  }
0x78: {  	_ =	shalt  }
0x79: {  	_ =	shalt  }
0x7a: {  	_ =	shalt  }
0x7b: {  	_ =	shalt  }
0x7c: {  	_ =	shalt  }
0x7d: {  	_ =	shalt  }
0x7e: {  	_ =	shalt  }
0x7f: {  	_ =	shalt  }
0x80: {  	_ =	shalt  }
0x81: {  	_ =	shalt  }
0x82: {  	_ =	shalt  }
0x83: {  	_ =	shalt  }
0x84: {  	_ =	shalt  }
0x85: {  	_ =	shalt  }
0x86: {  	_ =	shalt  }
0x87: {  	_ =	shalt  }
.Lfunc_end0:
.L_simem_size_0:
called_computation_lowered:
.L_overlay_start_0:
0x88: {  	s2 =	sld [smem:$0x3FD9]  }
0x89: {  	s3 =	sld [smem:$0x3FFE];
	_ =	sdelay $0x1  }
0x8a: {  	s1 =	srdreg.scid  }
0x8b: {  	s0 =	sand.u32 $0x1, s1  }
0x8c: {  	s17 =	sshll.u32 s0, $0xA;
	s2 =	sadd.s32 s3, s2  }
0x8d: {  	s2 =	sadd.s32 s2, s17  }
0x8e: {  	[smem:$0x3FC3] =	sst s2  }
0x8f: {  	_ = 	snop  }
0x90: {  	s2 =	sld [smem:$0x3FC9]  }
0x91: {  	s18 =	sld [smem:$0x3FC7]  }
0x92: {  	s4 =	sld [smem:$0x3FC6]  }
0x93: {  	s5 =	sld [smem:$0x3FC5]  }
0x94: {  	s6 =	sld [smem:$0x3FD0];
	(tm) =	ssettm $0x1  }
0x95: {  	s7 =	sld [smem:$0x3FFB];
	_ =	sdelay $0x3  }
0x96: {  	_ =	strace s7  }
0x97: {  	s7 =	sld [smem:$0x3FFC];
	_ =	sdelay $0x3  }
0x98: {  	_ =	strace s7  }
0x99: {  	s7 =	sld [smem:$0x3FFD];
	_ =	sdelay $0x3  }
0x9a: {  	_ =	strace s7  }
0x9b: {  	_ =	strace $0x8FFFFFFF  }
0x9c: {  	s19 =	sld [smem:$0x3FDB];
	_ =	sdelay $0x1  }
0x9d: {  	s8 =	simm.s32 $_scs_section_size  }
0x9e: {  	s9 =	simm.s32 $_size__tile_overlayer_lowered;
	s10 =	simm.s32 $_tile_overlayer_lowered  }
0x9f: {  	s22 =	simm.s32 $0x1BFF;
	s21 =	sshll.u32 s10, $0x1;
	s7 =	sadd.s32 s8, s19  }
0xa0: {  	s11 =	simm.s32 $0x0;
	s20 =	sshll.u32 s9, $0x1;
	s9 =	sadd.s32 s21, s7  }
0xa1: {  	[timem:s11], [sflag:s22] =	dma.local [hbm:s9], s20  }
0xa2: {  	_ =	swait.ge [sflag:s22], s20  }
0xa3: {  	s8 =	ssub.s32 $0x0, s20;
	[sflag:s22] =	ssyncset.done $0x0  }
0xa4: {  	[sflag:s22] =	ssyncadd.s32 s8;
	_ =	sdelay $0x1  }
0xa5: {  	s23 =	simm.s32 $0x1B8B  }
0xa6: {  	_ =	swait.ge [sflag:s23], $0x1  }
0xa7: {  	[sflag:s23] =	ssyncset.done $0x0  }
0xa8: {  	s25 =	simm.s32 $0x1B8E;
	s24 =	sld [smem:$0x3FFE];
	[sflag:s23] =	ssyncadd.s32 $0xFFFFFFFF  }
0xa9: {  	s26 =	simm.s32 $execute0_lowered;
	[smem:$0x3FD2] =	sst s25  }
0xaa: {  	s9 =	sshll.u32 s26, $0x1;
	_ =	strace $0x80000046;
	[dreg:$0x1] =	wrdreg $0xFFFFFFFF  }
0xab: {  	s28 =	simm.s32 $_size_execute0_lowered;
	s7 =	sadd.s32 s7, s9;
	[dreg:$0x0] =	wrdreg $0x0  }
0xac: {  	s9 =	sshll.u32 s28, $0x1;
	[dreg:$0x2] =	wrdreg s7  }
0xad: {  	[dreg:$0x3] =	wrdreg s9  }
0xae: {  	[dreg:$0x4] =	wrdreg $0xC0  }
0xaf: {  	_ =	task [dreg:s11], $0x5FFFF  }
0xb0: {  	[dreg:$0x1] =	wrdreg $0xFFFFFFFF  }
0xb1: {  	[dreg:$0x0] =	wrdreg $0x60  }
0xb2: {  	[dreg:$0x2] =	wrdreg s2  }
0xb3: {  	[dreg:$0x3] =	wrdreg s24  }
0xb4: {  	[dreg:$0x4] =	wrdreg s18  }
0xb5: {  	[dreg:$0x5] =	wrdreg s4  }
0xb6: {  	[dreg:$0x6] =	wrdreg s5  }
0xb7: {  	[dreg:$0x7] =	wrdreg s6  }
0xb8: {  	[dreg:$0x8] =	wrdreg $0x9  }
0xb9: {  	_ =	task.clear_ibuf [dreg:s11], $0x9FFFF;
	_ =	strace $0x90000046  }
0xba: {  	s29 =	simm.s32 $0x9;
	_ =	strace $0x80000048  }
0xbb: {  	_ =	swait.ge [sflag:s29], $0x1  }
0xbc: {  	[sflag:s29] =	ssyncadd.s32 $0xFFFFFFFF  }
0xbd: {  	_ =	strace $0x90000048  }
0xbe: {  	_ =	sfence  }
0xbf: {  	s30 =	sld [smem:$0x0];
	_ =	sdelay $0x2  }
0xc0: {  	s31 =	sshll.u32 s1, $0xD;
	s1 =	sshrl.u32 s1, $0x2  }
0xc1: {  	s3 =	sand.u32 $0x4000, s31;
	s1 =	sadd.s32 s1, s30  }
0xc2: {  	s0 =	sor.u32 s3, s0;
	s1 =	sshll.u32 s1, $0x11  }
0xc3: {  	s0 =	sor.u32 s1, s0  }
0xc4: {  	s0 =	sadd.s32 $0x8F2B, s0  }
0xc5: {  	[sflag:s0] =	ssyncadd.remote.s32 $0x1  }
0xc6: {  	_ =	sfence.sel $0xFFFF  }
0xc7: {  	[dreg:$0x0] =	wrdreg $0xFFFFFFFF;
	(pc) =	sbr.abs _section_cstart, $3  }
0xc8: {  	[dreg:$0x1] =	wrdreg $0xFFFFFFFF  }
0xc9: {  	_ =	task.clear_ibuf [dreg:s11], $0x2FFFF;
	_ =	strace $0x9FFFFFFF  }
0xca: {  	(tm) =	ssettm $0x7FFFFFFF  }
0xcb: {  	_ =	shalt  }
tec
execute0_lowered:
.L_overlay_start_1:
0x0: {  	(tag) =	ssettag $0x1  }
0x1: {  	s0 =	rddreg [dreg:$0x0]  }
0x2: {  	s2 =	rddreg [dreg:$0x1]  }
0x3: {  	s1 =	rddreg [dreg:$0x2]  }
0x4: {  	s3 =	rddreg [dreg:$0x4];
	s4 =	srdreg.scid  }
0x5: {  	s7 =	stileid.u32;
	s6 =	rddreg [dreg:$0x5]  }
0x6: {  	s16 =	simm.s32 $0x5;
	s17 =	simm.s32 $0x40;
	s24 =	simm.s32 $0x10200  }
0x7: {  	s25 =	simm.s32 $0x1;
	s28 =	simm.s32 $0x3;
	s29 =	simm.s32 $0x4  }
0x8: {  	s30 =	simm.s32 $0x6;
	s5 =	sand.u32 $0x1, s4;
	s7 =	sshll.u32 s7, $0x1  }
0x9: {  	s31 =	simm.s32 $0x0;
	s4 =	simm.s32 $0x0;
	s7 =	sor.u32 s5, s7  }
0xa: {  	[smem:$0x7FF] =	sst s4;
	s5 =	ssub.s32 $0x2, s5;
	s8 =	sshll.u32 s7, $0xC  }
0xb: {  	_ =	strace $0x80000047;
	s26 =	sshrl.u32 s5, $0x1;
	s9 =	sshll.u32 s7, $0xA  }
0xc: {  	s7 =	sshll.u32 s7, $0x6;
	s2 =	sadd.s32 s8, s2;
	s12 =	ssub.s32 s5, s26  }
0xd: {  	s5 =	sadd.s32 s0, s7;
	s6 =	sadd.s32 s6, s9;
	s8 =	sadd.s32 s3, s9  }
0xe: {  	s26 =	simm.s32 $0x2;
	s7 =	sadd.s32 $0x400, s2;
	s9 =	sadd.s32 $0x8000, s6  }
0xf: {  	s10 =	sadd.s32 $0x10000, s6;
	s11 =	sadd.s32 $0x18000, s6;
	s12 =	smax.u32 s12, $0x1  }
.LBB2_1:
0x10: {  	[tilespmem:s4], [sflag:$0x5] =	stream.linear.gather [hbm4b:s5+s4], $0x200, $0x38;
	[tilespmem:$0x12300] =	vst v63  }
0x11: {  	s0 =	simm.s32 $0x200  }
0x12: {  	[tilespmem:s0], [sflag:$0x5] =	stream.linear.gather [hbm4b:s7+s4], $0x8000, $0x38;
	[tilespmem:$0x12300] =	vst v63  }
0x13: {  	s20 =	rddreg [dreg:$0x3];
	s2 =	simm.s32 $0x12200  }
0x14: {  	[tilespmem:s2], [sflag:$0x5] =	stream.linear.gather [hbm4b:s20+s4], $0x100, $0x38;
	[tilespmem:$0x12300] =	vst v63  }
0x15: {  	s21 =	simm.s32 $0x8200  }
0x16: {  	[tilespmem:s21], [sflag:$0x5] =	stream.linear.gather [hbm4b:s8+s4], $0x2000, $0x38;
	[tilespmem:$0x12300] =	vst v63  }
0x17: {  	_ =	swait.ge [sflag:s16], $0x200  }
0x18: {  	[sflag:s16] =	ssyncset.done $0x0  }
0x19: {  	[sflag:s16] =	ssyncadd.s32 $0xFFFFFE00  }
0x1a: {  	_ =	swait.ge [sflag:s16], $0x8000  }
0x1b: {  	[sflag:s16] =	ssyncset.done $0x0  }
0x1c: {  	[sflag:s16] =	ssyncadd.s32 $0xFFFF8000  }
0x1d: {  	_ =	swait.ge [sflag:s16], $0x100  }
0x1e: {  	[sflag:s16] =	ssyncset.done $0x0  }
0x1f: {  	[sflag:s16] =	ssyncadd.s32 $0xFFFFFF00  }
0x20: {  	_ =	swait.ge [sflag:s16], $0x2000  }
0x21: {  	[sflag:s16] =	ssyncset.done $0x0  }
0x22: {  	[sflag:s16] =	ssyncadd.s32 $0xFFFFE000  }
0x23: {  	v5 =	vld [tilespmem:$0x12200]  }
0x24: {  	v0 =	vld [tilespmem:$0x12210]  }
0x25: {  	v6 =	vld [tilespmem:$0x12220]  }
0x26: {  	v1 =	vld [tilespmem:$0x12230]  }
0x27: {  	v8 =	vld [tilespmem:$0x12280]  }
0x28: {  	s22 =	simm.s32 $0x280;
	v2 =	vld [tilespmem:$0x12240]  }
0x29: {  	v23 =	vld [tilespmem:s22+$0x0]  }
0x2a: {  	v4 =	vld [tilespmem:$0x12250]  }
0x2b: {  	v7 =	vld [tilespmem:$0x12260]  }
0x2c: {  	s21 =	simm.s32 $0x8280;
	v3 =	vld [tilespmem:$0x12270];
	v8 =	vsub.f32 v8, v5  }
0x2d: {  	v10 =	vld [tilespmem:s21+$0x0]  }
0x2e: {  	v9 =	vld [tilespmem:$0x12290];
	v12 =	vmul.f32 v23, v8  }
0x2f: {  	v11 =	vld [tilespmem:$0x122A0]  }
0x30: {  	v13 =	vld [tilespmem:$0x122B0];
	v12 =	vadd.f32 v12, v5  }
0x31: {  	v14 =	vld [tilespmem:$0x122C0]  }
0x32: {  	v15 =	vld [tilespmem:$0x122D0];
	v10 =	vadd.f32 v12, v10  }
0x33: {  	s3 =	simm.s32 $0xA280;
	v16 =	vld [tilespmem:$0x122E0]  }
0x34: {  	v17 =	vld [tilespmem:$0x122F0];
	v9 =	vsub.f32 v9, v0;
	[tilespmem:s3+$0x0] =	vst v10  }
0x35: {  	v10 =	vld [tilespmem:s21+$0x10]  }
0x36: {  	v12 =	vmul.f32 v23, v9  }
0x37: {  	v18 =	vld [tilespmem:s22+$0xFFFFFF80]  }
0x38: {  	v12 =	vadd.f32 v12, v0;
	_ =	sdelay $0x1  }
0x39: {  	s23 =	simm.s32 $0x380;
	v19 =	vld [tilespmem:s21+$0xFFFFFF80];
	v10 =	vadd.f32 v10, v12  }
0x3a: {  	v29 =	vld [tilespmem:s23+$0x0]  }
0x3b: {  	v11 =	vsub.f32 v11, v6;
	v12 =	vmul.f32 v18, v8;
	[tilespmem:s3+$0x10] =	vst v10  }
0x3c: {  	v10 =	vld [tilespmem:s21+$0x20]  }
0x3d: {  	s2 =	simm.s32 $0x8380;
	v20 =	vmul.f32 v23, v11;
	v12 =	vadd.f32 v12, v5  }
0x3e: {  	v21 =	vld [tilespmem:s2+$0x0]  }
0x3f: {  	v12 =	vadd.f32 v12, v19;
	v19 =	vadd.f32 v20, v6;
	v20 =	vmul.f32 v29, v8;
	_ =	sdelay $0x1  }
0x40: {  	[tilespmem:s3+$0xFFFFFF80] =	vst v12;
	v12 =	vadd.f32 v10, v19;
	v19 =	vadd.f32 v20, v5  }
0x41: {  	v20 =	vld [tilespmem:s21+$0xFFFFFF90]  }
0x42: {  	v22 =	vld [tilespmem:s23+$0xFFFFFF80];
	v10 =	vsub.f32 v13, v1;
	v13 =	vmul.f32 v18, v9;
	[tilespmem:s3+$0x20] =	vst v12;
	v12 =	vadd.f32 v19, v21  }
0x43: {  	s13 =	simm.s32 $0x480;
	s0 =	simm.s32 $0xA380;
	v19 =	vld [tilespmem:s21+$0x30]  }
0x44: {  	v35 =	vld [tilespmem:s13+$0xFFFFFF80];
	v13 =	vadd.f32 v13, v0;
	v21 =	vmul.f32 v23, v10;
	[tilespmem:s0+$0x0] =	vst v12  }
0x45: {  	v24 =	vld [tilespmem:s2+$0x10]  }
0x46: {  	v25 =	vmul.f32 v29, v9;
	v21 =	vadd.f32 v21, v1;
	v13 =	vadd.f32 v20, v13;
	v20 =	vld [tilespmem:s2+$0xFFFFFF80]  }
0x47: {  	v12 =	vsub.f32 v14, v2;
	v14 =	vmul.f32 v22, v8  }
0x48: {  	[tilespmem:s3+$0xFFFFFF90] =	vst v13;
	v19 =	vadd.f32 v19, v21;
	v21 =	vadd.f32 v25, v0  }
0x49: {  	v13 =	vsub.f32 v15, v4;
	v15 =	vadd.f32 v14, v5;
	v25 =	vld [tilespmem:s21+$0xFFFFFFA0]  }
0x4a: {  	v14 =	vsub.f32 v16, v7;
	v16 =	vmul.f32 v18, v11;
	[tilespmem:s3+$0x30] =	vst v19;
	v19 =	vadd.f32 v24, v21  }
0x4b: {  	v28 =	vmul.f32 v29, v11;
	v54 =	vmul.f32 v35, v11;
	v20 =	vadd.f32 v15, v20;
	v26 =	vld [tilespmem:s21+$0x40]  }
0x4c: {  	v27 =	vmul.f32 v23, v12;
	v15 =	vsub.f32 v17, v3;
	v17 =	vadd.f32 v16, v6;
	v16 =	vld [tilespmem:s13+$0x0];
	[tilespmem:s0+$0x10] =	vst v19  }
0x4d: {  	v28 =	vadd.f32 v28, v6;
	v39 =	vadd.f32 v54, v6;
	v19 =	vmul.f32 v18, v13;
	[tilespmem:s0+$0xFFFFFF80] =	vst v20;
	v20 =	vld [tilespmem:s2+$0x20]  }
0x4e: {  	v27 =	vadd.f32 v27, v2;
	v17 =	vadd.f32 v25, v17;
	v25 =	vld [tilespmem:s2+$0xFFFFFF90]  }
0x4f: {  	v30 =	vmul.f32 v18, v14;
	s13 =	simm.s32 $0x8480;
	v34 =	vadd.f32 v19, v4;
	v19 =	vmul.f32 v22, v9  }
0x50: {  	v51 =	vmul.f32 v29, v10;
	v50 =	vmul.f32 v22, v12;
	[tilespmem:s3+$0xFFFFFFA0] =	vst v17;
	v26 =	vadd.f32 v26, v27;
	v27 =	vld [tilespmem:s13+$0x0]  }
0x51: {  	v31 =	vadd.f32 v30, v7;
	v32 =	vmul.f32 v16, v8;
	v19 =	vadd.f32 v19, v0;
	v30 =	vld [tilespmem:s21+$0xFFFFFFB0]  }
0x52: {  	v36 =	vmul.f32 v23, v13;
	v21 =	vmul.f32 v18, v10;
	[tilespmem:s3+$0x40] =	vst v26;
	v20 =	vadd.f32 v20, v28  }
0x53: {  	v26 =	vmul.f32 v22, v10;
	v19 =	vadd.f32 v25, v19;
	v28 =	vadd.f32 v32, v5;
	v25 =	vld [tilespmem:s21+$0x50]  }
0x54: {  	v24 =	vmul.f32 v18, v12;
	v33 =	vld [tilespmem:s13+$0xFFFFFF80];
	v21 =	vadd.f32 v21, v1;
	v18 =	vmul.f32 v18, v15;
	[tilespmem:s0+$0x20] =	vst v20  }
0x55: {  	v20 =	vadd.f32 v26, v1;
	[tilespmem:s0+$0xFFFFFF90] =	vst v19;
	v19 =	vmul.f32 v35, v8;
	v26 =	vadd.f32 v28, v27;
	v27 =	vld [tilespmem:s2+$0x30]  }
0x56: {  	s14 =	simm.s32 $0xA480;
	v52 =	vmul.f32 v22, v14;
	v21 =	vadd.f32 v30, v21;
	v28 =	vld [tilespmem:s2+$0xFFFFFFA0];
	v30 =	vadd.f32 v36, v4  }
0x57: {  	v17 =	vadd.f32 v18, v3;
	v18 =	vmul.f32 v22, v11;
	v19 =	vadd.f32 v19, v5;
	[tilespmem:s14+$0x0] =	vst v26  }
0x58: {  	v26 =	vmul.f32 v22, v13;
	[tilespmem:s3+$0xFFFFFFB0] =	vst v21;
	v21 =	vadd.f32 v25, v30;
	v25 =	vld [tilespmem:s13+$0x10];
	v30 =	vadd.f32 v51, v1  }
0x59: {  	v53 =	vmul.f32 v16, v9;
	v18 =	vadd.f32 v18, v6;
	v38 =	vld [tilespmem:s21+$0xFFFFFFC0];
	v19 =	vadd.f32 v19, v33  }
0x5a: {  	v22 =	vmul.f32 v22, v15;
	v32 =	vadd.f32 v26, v4;
	[tilespmem:s3+$0x50] =	vst v21;
	v21 =	vadd.f32 v27, v30  }
0x5b: {  	v26 =	vadd.f32 v28, v18;
	[tilespmem:s14+$0xFFFFFF80] =	vst v19;
	v19 =	vadd.f32 v53, v0;
	v27 =	vld [tilespmem:s21+$0x60]  }
0x5c: {  	v56 =	vmul.f32 v29, v12;
	v24 =	vadd.f32 v24, v2;
	v18 =	vadd.f32 v22, v3;
	v22 =	vld [tilespmem:s13+$0xFFFFFF90];
	[tilespmem:s0+$0x30] =	vst v21  }
0x5d: {  	v37 =	vadd.f32 v50, v2;
	[tilespmem:s0+$0xFFFFFFA0] =	vst v26;
	v26 =	vmul.f32 v23, v14;
	v25 =	vadd.f32 v25, v19;
	v28 =	vld [tilespmem:s2+$0x40]  }
0x5e: {  	s15 =	simm.s32 $0x580;
	v63 =	vmul.f32 v29, v13;
	v21 =	vmul.f32 v35, v9;
	v24 =	vadd.f32 v38, v24;
	v55 =	vld [tilespmem:s2+$0xFFFFFFB0]  }
0x5f: {  	v58 =	vmul.f32 v35, v12;
	v57 =	vadd.f32 v56, v2;
	v19 =	vld [tilespmem:s15+$0x0];
	v26 =	vadd.f32 v26, v7;
	[tilespmem:s14+$0x10] =	vst v25  }
0x60: {  	v49 =	vadd.f32 v63, v4;
	v21 =	vadd.f32 v21, v0;
	v25 =	vmul.f32 v35, v10;
	[tilespmem:s3+$0xFFFFFFC0] =	vst v24;
	v24 =	vld [tilespmem:s13+$0x20]  }
0x61: {  	v33 =	vadd.f32 v58, v2;
	v40 =	vld [tilespmem:s21+$0xFFFFFFD0];
	v26 =	vadd.f32 v27, v26;
	v27 =	vmul.f32 v16, v11  }
0x62: {  	v51 =	vmul.f32 v16, v10;
	v21 =	vadd.f32 v22, v21;
	v41 =	vadd.f32 v25, v1;
	v25 =	vld [tilespmem:s15+$0xFFFFFF80];
	s15 =	simm.s32 $0x8580  }
0x63: {  	v58 =	vmul.f32 v29, v14;
	v28 =	vadd.f32 v28, v57;
	[tilespmem:s3+$0x60] =	vst v26;
	v26 =	vld [tilespmem:s15+$0x0];
	v27 =	vadd.f32 v27, v6  }
0x64: {  	v29 =	vmul.f32 v29, v15;
	v30 =	vadd.f32 v52, v7;
	v44 =	vmul.f32 v19, v8;
	[tilespmem:s14+$0xFFFFFF90] =	vst v21;
	v61 =	vld [tilespmem:s15+$0xFFFFFF80]  }
0x65: {  	v53 =	vadd.f32 v51, v1;
	v23 =	vmul.f32 v23, v15;
	v48 =	vld [tilespmem:s13+$0xFFFFFFA0];
	[tilespmem:s0+$0x40] =	vst v28;
	v24 =	vadd.f32 v24, v27  }
0x66: {  	v29 =	vadd.f32 v29, v3;
	v28 =	vmul.f32 v35, v15;
	v62 =	vadd.f32 v44, v5;
	v27 =	vld [tilespmem:s2+$0x50]  }
0x67: {  	v59 =	vmul.f32 v35, v14;
	v23 =	vadd.f32 v23, v3;
	v60 =	vadd.f32 v55, v20;
	v43 =	vld [tilespmem:s21+$0x70];
	[tilespmem:s14+$0x20] =	vst v24  }
0x68: {  	v20 =	vadd.f32 v28, v3;
	v28 =	vmul.f32 v25, v8;
	v24 =	vadd.f32 v62, v26;
	v26 =	vld [tilespmem:s13+$0x30]  }
0x69: {  	s19 =	simm.s32 $0xA580;
	v21 =	vadd.f32 v59, v7;
	[tilespmem:s0+$0xFFFFFFB0] =	vst v60;
	v34 =	vadd.f32 v40, v34  }
0x6a: {  	v50 =	vld [tilespmem:s2+$0xFFFFFFC0];
	v28 =	vadd.f32 v28, v5;
	v38 =	vadd.f32 v48, v39;
	[tilespmem:s19+$0x0] =	vst v24  }
0x6b: {  	v56 =	vmul.f32 v19, v9;
	v54 =	vmul.f32 v25, v11;
	[tilespmem:s3+$0xFFFFFFD0] =	vst v34;
	v24 =	vadd.f32 v27, v49;
	v52 =	vld [tilespmem:s15+$0x10]  }
0x6c: {  	v46 =	vmul.f32 v25, v14;
	v47 =	vmul.f32 v25, v15;
	v55 =	vld [tilespmem:s21+$0xFFFFFFE0];
	v28 =	vadd.f32 v28, v61;
	[tilespmem:s14+$0xFFFFFFA0] =	vst v38  }
0x6d: {  	v39 =	vadd.f32 v43, v23;
	v27 =	vmul.f32 v25, v9;
	v60 =	vld [tilespmem:s13+$0xFFFFFFB0];
	[tilespmem:s0+$0x50] =	vst v24;
	v24 =	vadd.f32 v26, v53  }
0x6e: {  	s18 =	simm.s32 $0x680;
	v23 =	vmul.f32 v25, v10;
	v61 =	vmul.f32 v25, v13;
	[tilespmem:s19+$0xFFFFFF80] =	vst v28;
	v28 =	vadd.f32 v56, v0;
	v26 =	vld [tilespmem:s2+$0x60]  }
0x6f: {  	v59 =	vadd.f32 v27, v0;
	v27 =	vmul.f32 v25, v12;
	v25 =	vadd.f32 v46, v7;
	v46 =	vld [tilespmem:s18+$0xFFFFFF80];
	[tilespmem:s14+$0x30] =	vst v24  }
0x70: {  	v42 =	vmul.f32 v35, v13;
	v62 =	vadd.f32 v58, v7;
	v34 =	vadd.f32 v52, v28;
	v45 =	vld [tilespmem:s13+$0x40]  }
0x71: {  	v37 =	vadd.f32 v50, v37;
	v28 =	vadd.f32 v23, v1;
	v23 =	vmul.f32 v16, v12;
	v24 =	vld [tilespmem:s18+$0x0]  }
0x72: {  	v22 =	vadd.f32 v42, v4;
	v51 =	vmul.f32 v19, v11;
	v43 =	vadd.f32 v54, v6;
	v57 =	vld [tilespmem:s15+$0xFFFFFF90];
	[tilespmem:s19+$0x10] =	vst v34  }
0x73: {  	[tilespmem:s0+$0xFFFFFFC0] =	vst v37;
	v50 =	vadd.f32 v23, v2;
	v48 =	vadd.f32 v26, v62;
	v49 =	vld [tilespmem:s15+$0x20]  }
0x74: {  	v63 =	vld [tilespmem:s2+$0xFFFFFFD0];
	v31 =	vadd.f32 v55, v31;
	v55 =	vadd.f32 v51, v6;
	s18 =	simm.s32 $0x8680  }
0x75: {  	v27 =	vadd.f32 v27, v2;
	v54 =	vld [tilespmem:s18+$0x0];
	[tilespmem:s0+$0x60] =	vst v48;
	v52 =	vadd.f32 v45, v50  }
0x76: {  	[tilespmem:s3+$0x70] =	vst v39;
	v36 =	vadd.f32 v60, v41;
	v23 =	vadd.f32 v47, v3;
	v56 =	vmul.f32 v24, v8;
	v53 =	vld [tilespmem:s2+$0x70]  }
0x77: {  	v58 =	vld [tilespmem:s18+$0xFFFFFF80];
	v26 =	vadd.f32 v61, v4;
	v35 =	vadd.f32 v57, v59;
	v59 =	vmul.f32 v46, v8;
	[tilespmem:s14+$0x40] =	vst v52  }
0x78: {  	v62 =	vmul.f32 v46, v9;
	[tilespmem:s14+$0xFFFFFFB0] =	vst v36;
	v38 =	vadd.f32 v56, v5;
	v57 =	vadd.f32 v49, v55;
	v37 =	vld [tilespmem:s13+$0x50]  }
0x79: {  	v60 =	vmul.f32 v16, v13;
	v32 =	vadd.f32 v63, v32;
	[tilespmem:s19+$0xFFFFFF90] =	vst v35;
	v39 =	vadd.f32 v59, v5  }
0x7a: {  	v36 =	vadd.f32 v62, v0;
	v61 =	vld [tilespmem:s15+$0xFFFFFFA0];
	v52 =	vadd.f32 v38, v54;
	[tilespmem:s19+$0x20] =	vst v57  }
0x7b: {  	[tilespmem:s3+$0xFFFFFFE0] =	vst v31;
	v63 =	vmul.f32 v46, v11;
	v54 =	vadd.f32 v60, v4;
	v48 =	vadd.f32 v53, v29;
	v53 =	vld [tilespmem:s15+$0x30]  }
0x7c: {  	s23 =	simm.s32 $0xA680;
	[tilespmem:s0+$0xFFFFFFD0] =	vst v32;
	v56 =	vmul.f32 v19, v10;
	v35 =	vadd.f32 v39, v58;
	v58 =	vmul.f32 v46, v13;
	v55 =	vld [tilespmem:s13+$0xFFFFFFC0]  }
0x7d: {  	v31 =	vld [tilespmem:s21+$0xFFFFFFF0];
	v32 =	vadd.f32 v63, v6;
	[tilespmem:s23+$0x0] =	vst v52;
	v37 =	vadd.f32 v37, v54  }
0x7e: {  	v42 =	vadd.f32 v56, v1;
	v60 =	vmul.f32 v24, v9;
	v34 =	vadd.f32 v58, v4;
	v59 =	vld [tilespmem:s18+$0x10]  }
0x7f: {  	v49 =	vld [tilespmem:s2+$0xFFFFFFE0];
	v57 =	vmul.f32 v46, v12;
	v29 =	vmul.f32 v46, v10;
	v44 =	vadd.f32 v61, v43;
	[tilespmem:s14+$0x50] =	vst v37  }
0x80: {  	[tilespmem:s23+$0xFFFFFF80] =	vst v35;
	v61 =	vmul.f32 v46, v14;
	v47 =	vadd.f32 v60, v0;
	v40 =	vadd.f32 v53, v42;
	v37 =	vld [tilespmem:s13+$0x60]  }
0x81: {  	v62 =	vmul.f32 v16, v14;
	v43 =	vld [tilespmem:s18+$0xFFFFFF90];
	v38 =	vadd.f32 v29, v1;
	[tilespmem:s19+$0xFFFFFFA0] =	vst v44;
	v33 =	vadd.f32 v55, v33  }
0x82: {  	v63 =	vmul.f32 v46, v15;
	v29 =	vadd.f32 v57, v2;
	v35 =	vadd.f32 v61, v7;
	v42 =	vld [tilespmem:s15+$0xFFFFFFB0];
	[tilespmem:s19+$0x30] =	vst v40  }
0x83: {  	[tilespmem:s14+$0xFFFFFFC0] =	vst v33;
	v45 =	vadd.f32 v59, v47;
	v40 =	vadd.f32 v62, v7;
	v41 =	vld [tilespmem:s15+$0x40]  }
0x84: {  	s20 =	simm.s32 $0x8;
	s22 =	simm.s32 $0x780;
	s21 =	simm.s32 $0x8680;
	[tilespmem:s0+$0x70] =	vst v48;
	v44 =	vmul.f32 v19, v12;
	v30 =	vadd.f32 v49, v30;
	v33 =	vadd.f32 v63, v3;
	v39 =	vld [tilespmem:s13+$0xFFFFFFD0]  }
.LBB2_2:
0x85: {  	v46 =	vld [tilespmem:s22+$0x0];
	s20 =	sadd.s32 $0x2, s20;
	[tilespmem:s23+$0x10] =	vst v45;
	v37 =	vadd.f32 v37, v40;
	v31 =	vadd.f32 v31, v17;
	v47 =	vmovc v21;
	v21 =	vmov v25  }
0x86: {  	v25 =	vmovc v35;
	v17 =	vmov v18;
	p0 =	slt.u32 s20, $0x3E;
	v36 =	vadd.f32 v43, v36;
	v40 =	vld [tilespmem:s18+$0x20];
	v43 =	vadd.f32 v44, v2;
	[tilespmem:s0+$0xFFFFFFE0] =	vst v30  }
0x87: {  	v35 =	vmul.f32 v24, v11;
	v18 =	vmovc v20;
	v30 =	vld [tilespmem:s22+$0xFFFFFF80];
	v42 =	vadd.f32 v42, v28;
	[tilespmem:s14+$0x60] =	vst v37;
	v28 =	vmov v38  }
0x88: {  	v20 =	vmov v23;
	s18 =	sadd.s32 $0x100, s18;
	v23 =	vmov v33;
	[tilespmem:s23+$0xFFFFFF90] =	vst v36;
	v36 =	vadd.f32 v41, v43;
	v37 =	vld [tilespmem:s13+$0x70]  }
0x89: {  	v35 =	vadd.f32 v35, v6;
	v33 =	vld [tilespmem:s18+$0x0];
	[tilespmem:s19+$0xFFFFFFB0] =	vst v42;
	v38 =	vadd.f32 v39, v22;
	v39 =	vmul.f32 v16, v15  }
0x8a: {  	v16 =	vmovc v19;
	v19 =	vmovc v24;
	v22 =	vmov v26;
	v41 =	vld [tilespmem:s18+$0xFFFFFF80];
	v42 =	vmul.f32 v46, v8;
	[tilespmem:s19+$0x40] =	vst v36;
	v24 =	vmov v46  }
0x8b: {  	v26 =	vmov v34;
	v35 =	vadd.f32 v40, v35;
	v40 =	vld [tilespmem:s15+$0x50];
	[tilespmem:s14+$0xFFFFFFD0] =	vst v38;
	v36 =	vadd.f32 v39, v3  }
0x8c: {  	v34 =	vmul.f32 v30, v8;
	v38 =	vadd.f32 v42, v5;
	v39 =	vld [tilespmem:s21+$0xFFFFFFA0];
	v42 =	vmul.f32 v16, v13;
	[tilespmem:s3+$0xFFFFFFF0] =	vst v31;
	s3 =	smov.u32 s0;
	s0 =	smov.u32 s14;
	s14 =	smov.u32 s19  }
0x8d: {  	v31 =	vmul.f32 v30, v9;
	v43 =	vmul.f32 v30, v11;
	s19 =	smov.u32 s23;
	[tilespmem:s23+$0x20] =	vst v35;
	v35 =	vld [tilespmem:s15+$0xFFFFFFC0];
	v37 =	vadd.f32 v37, v36  }
0x8e: {  	v44 =	vmul.f32 v30, v10;
	v33 =	vadd.f32 v38, v33;
	v45 =	vld [tilespmem:s21+$0x30];
	v38 =	vadd.f32 v42, v4  }
0x8f: {  	s23 =	sadd.s32 $0x100, s23;
	v34 =	vadd.f32 v34, v5;
	v36 =	vadd.f32 v31, v0;
	v42 =	vmul.f32 v19, v10;
	v46 =	vld [tilespmem:s13+$0xFFFFFFE0];
	[tilespmem:s0+$0x70] =	vst v37  }
0x90: {  	v48 =	vadd.f32 v43, v6;
	v37 =	vmul.f32 v30, v12;
	[tilespmem:s23+$0x0] =	vst v33;
	v33 =	vadd.f32 v40, v38;
	v31 =	vld [tilespmem:s2+$0xFFFFFFF0];
	s2 =	smov.u32 s13;
	s13 =	smov.u32 s15;
	s15 =	smov.u32 s21  }
0x91: {  	v34 =	vadd.f32 v34, v41;
	v40 =	vmul.f32 v30, v13;
	v42 =	vadd.f32 v42, v1;
	s21 =	smov.u32 s18;
	v41 =	vld [tilespmem:s18+$0x10]  }
0x92: {  	v38 =	vadd.f32 v44, v1;
	v44 =	vmul.f32 v24, v9;
	v32 =	vadd.f32 v39, v32;
	[tilespmem:s14+$0x50] =	vst v33  }
.Ltmp0:
0x93: {  	v49 =	vadd.f32 v37, v2;
	v33 =	vmul.f32 v30, v14;
	[tilespmem:s23+$0xFFFFFF80] =	vst v34;
	v39 =	vadd.f32 v45, v42;
	v37 =	vld [tilespmem:s13+$0x60];
	(pc) =	sbr.rel @p0 .LBB2_2-.Ltmp0, $4  }
0x94: {  	v50 =	vmul.f32 v16, v14;
	v44 =	vadd.f32 v44, v0;
	v51 =	vadd.f32 v35, v27;
	v43 =	vld [tilespmem:s18+$0xFFFFFF90];
	[tilespmem:s19+$0xFFFFFFA0] =	vst v32  }
0x95: {  	v30 =	vmul.f32 v30, v15;
	v34 =	vadd.f32 v40, v4;
	v35 =	vadd.f32 v33, v7;
	v42 =	vld [tilespmem:s15+$0xFFFFFFB0];
	[tilespmem:s19+$0x30] =	vst v39  }
0x96: {  	v27 =	vmovc v29;
	v40 =	vadd.f32 v50, v7;
	v32 =	vmov v48;
	v45 =	vadd.f32 v41, v44;
	v41 =	vld [tilespmem:s15+$0x40];
	[tilespmem:s14+$0xFFFFFFC0] =	vst v51  }
0x97: {  	s22 =	sadd.s32 $0x100, s22;
	v29 =	vmovc v49;
	v33 =	vadd.f32 v30, v3;
	v30 =	vadd.f32 v46, v47;
	v44 =	vmul.f32 v19, v12;
	v39 =	vld [tilespmem:s13+$0xFFFFFFD0]  }
0x98: {  	_ = 	snop  }
0x99: {  	[tilespmem:s23+$0x10] =	vst v45;
	v36 =	vadd.f32 v43, v36  }
0x9a: {  	v48 =	vld [tilespmem:s18+$0x20]  }
0x9b: {  	v49 =	vmul.f32 v24, v11;
	[tilespmem:s23+$0xFFFFFF90] =	vst v36  }
0x9c: {  	v36 =	vld [tilespmem:s21+$0xFFFFFFA0]  }
0x9d: {  	v45 =	vadd.f32 v49, v6;
	_ =	sdelay $0x1  }
0x9e: {  	v43 =	vadd.f32 v48, v45;
	_ =	sdelay $0x1  }
0x9f: {  	[tilespmem:s23+$0x20] =	vst v43;
	v32 =	vadd.f32 v36, v32  }
0xa0: {  	v50 =	vld [tilespmem:s21+$0x30]  }
0xa1: {  	v51 =	vmul.f32 v24, v10;
	[tilespmem:s23+$0xFFFFFFA0] =	vst v32  }
0xa2: {  	v32 =	vld [tilespmem:s21+$0xFFFFFFB0]  }
0xa3: {  	v43 =	vadd.f32 v51, v1;
	_ =	sdelay $0x1  }
0xa4: {  	v36 =	vadd.f32 v50, v43  }
0xa5: {  	v28 =	vadd.f32 v42, v28  }
0xa6: {  	[tilespmem:s23+$0x30] =	vst v36;
	v32 =	vadd.f32 v32, v38  }
0xa7: {  	[tilespmem:s19+$0xFFFFFFB0] =	vst v28;
	v28 =	vld [tilespmem:s21+$0x40]  }
0xa8: {  	v54 =	vmul.f32 v24, v12;
	v52 =	vadd.f32 v44, v2;
	v53 =	vld [tilespmem:s15+$0xFFFFFFC0];
	[tilespmem:s23+$0xFFFFFFB0] =	vst v32  }
0xa9: {  	v32 =	vld [tilespmem:s21+$0xFFFFFFC0]  }
0xaa: {  	v55 =	vadd.f32 v54, v2;
	v36 =	vadd.f32 v41, v52;
	_ =	sdelay $0x1  }
0xab: {  	[tilespmem:s19+$0x40] =	vst v36;
	v28 =	vadd.f32 v28, v55  }
0xac: {  	v27 =	vadd.f32 v53, v27;
	v36 =	vld [tilespmem:s15+$0x50]  }
0xad: {  	v56 =	vmul.f32 v19, v13;
	[tilespmem:s23+$0x40] =	vst v28;
	v28 =	vadd.f32 v32, v29  }
0xae: {  	[tilespmem:s19+$0xFFFFFFC0] =	vst v27;
	v27 =	vld [tilespmem:s21+$0x50]  }
0xaf: {  	v58 =	vmul.f32 v24, v13;
	v57 =	vld [tilespmem:s15+$0xFFFFFFD0];
	v29 =	vadd.f32 v56, v4;
	[tilespmem:s23+$0xFFFFFFC0] =	vst v28  }
0xb0: {  	v28 =	vld [tilespmem:s21+$0xFFFFFFD0]  }
0xb1: {  	v59 =	vadd.f32 v58, v4;
	v29 =	vadd.f32 v36, v29  }
0xb2: {  	v22 =	vadd.f32 v39, v22  }
0xb3: {  	[tilespmem:s19+$0x50] =	vst v29;
	v27 =	vadd.f32 v27, v59  }
0xb4: {  	[tilespmem:s14+$0xFFFFFFD0] =	vst v22;
	v26 =	vadd.f32 v57, v26;
	v22 =	vld [tilespmem:s15+$0x60]  }
0xb5: {  	v60 =	vmul.f32 v19, v14;
	v29 =	vld [tilespmem:s13+$0xFFFFFFE0];
	[tilespmem:s23+$0x50] =	vst v27;
	v27 =	vadd.f32 v28, v34  }
0xb6: {  	[tilespmem:s19+$0xFFFFFFD0] =	vst v26;
	v26 =	vld [tilespmem:s21+$0x60]  }
0xb7: {  	v62 =	vmul.f32 v24, v14;
	v61 =	vld [tilespmem:s15+$0xFFFFFFE0];
	v32 =	vadd.f32 v60, v7;
	v28 =	vadd.f32 v37, v40;
	[tilespmem:s23+$0xFFFFFFD0] =	vst v27  }
0xb8: {  	v27 =	vld [tilespmem:s21+$0xFFFFFFE0]  }
0xb9: {  	[tilespmem:s14+$0x60] =	vst v28;
	v22 =	vadd.f32 v22, v32;
	v28 =	vadd.f32 v62, v7  }
0xba: {  	[tilespmem:s0+$0xFFFFFFE0] =	vst v30;
	v21 =	vadd.f32 v29, v21;
	v30 =	vld [tilespmem:s13+$0x70]  }
0xbb: {  	v16 =	vmul.f32 v16, v15;
	v29 =	vld [tilespmem:s2+$0xFFFFFFF0];
	[tilespmem:s19+$0x60] =	vst v22;
	v22 =	vadd.f32 v26, v28  }
0xbc: {  	v25 =	vadd.f32 v61, v25;
	[tilespmem:s14+$0xFFFFFFE0] =	vst v21;
	v21 =	vld [tilespmem:s15+$0x70]  }
0xbd: {  	v19 =	vmul.f32 v19, v15;
	v16 =	vadd.f32 v16, v3;
	v26 =	vld [tilespmem:s13+$0xFFFFFFF0];
	[tilespmem:s23+$0x60] =	vst v22;
	v22 =	vadd.f32 v27, v35  }
0xbe: {  	v17 =	vadd.f32 v31, v17;
	[tilespmem:s19+$0xFFFFFFE0] =	vst v25;
	v25 =	vld [tilespmem:s21+$0x70]  }
0xbf: {  	v24 =	vmul.f32 v24, v15;
	v19 =	vadd.f32 v19, v3;
	v16 =	vadd.f32 v30, v16;
	v27 =	vld [tilespmem:s15+$0xFFFFFFF0];
	[tilespmem:s23+$0xFFFFFFE0] =	vst v22  }
0xc0: {  	[tilespmem:s3+$0xFFFFFFF0] =	vst v17;
	v17 =	vadd.f32 v29, v18;
	v18 =	vld [tilespmem:s21+$0xFFFFFFF0]  }
0xc1: {  	[tilespmem:s14+$0x70] =	vst v16;
	v16 =	vadd.f32 v21, v19;
	v19 =	vadd.f32 v24, v3  }
0xc2: {  	[tilespmem:s0+$0xFFFFFFF0] =	vst v17;
	v17 =	vadd.f32 v26, v20  }
0xc3: {  	[tilespmem:s19+$0x70] =	vst v16;
	v16 =	vadd.f32 v25, v19  }
0xc4: {  	[tilespmem:s14+$0xFFFFFFF0] =	vst v17;
	v17 =	vadd.f32 v27, v23  }
0xc5: {  	[tilespmem:s23+$0x70] =	vst v16;
	v16 =	vadd.f32 v18, v33  }
0xc6: {  	[tilespmem:s19+$0xFFFFFFF0] =	vst v17  }
0xc7: {  	s18 =	simm.s32 $0x2280;
	s15 =	simm.s32 $0xA200;
	[tilespmem:s23+$0xFFFFFFF0] =	vst v16  }
0xc8: {  	[tilespmem:s15], [sflag:$0x1] =	stream.indirect.gather.add.f32 [hbm:s1], $0x80, s4, s17, $0xb8;
	[tilespmem:$0x12300] =	vst v63  }
0xc9: {  	v23 =	vld [tilespmem:s18+$0x0];
	_ =	sdelay $0x2  }
0xca: {  	s21 =	simm.s32 $0x8280  }
0xcb: {  	v16 =	vld [tilespmem:s21+$0x0]  }
0xcc: {  	v17 =	vmul.f32 v23, v8;
	_ =	sdelay $0x1  }
0xcd: {  	v17 =	vadd.f32 v17, v5;
	_ =	sdelay $0x1  }
0xce: {  	v16 =	vadd.f32 v17, v16  }
0xcf: {  	s3 =	simm.s32 $0xC2F0  }
0xd0: {  	[tilespmem:s3+$0xFFFFFF90] =	vst v16  }
0xd1: {  	v16 =	vld [tilespmem:s21+$0x10]  }
0xd2: {  	v17 =	vmul.f32 v23, v9  }
0xd3: {  	v18 =	vld [tilespmem:s18+$0xFFFFFF80]  }
0xd4: {  	v17 =	vadd.f32 v17, v0;
	_ =	sdelay $0x1  }
0xd5: {  	s19 =	simm.s32 $0x2380;
	v19 =	vld [tilespmem:s21+$0xFFFFFF80];
	v16 =	vadd.f32 v16, v17  }
0xd6: {  	v29 =	vld [tilespmem:s19+$0x0]  }
0xd7: {  	v17 =	vmul.f32 v18, v8;
	[tilespmem:s3+$0xFFFFFFA0] =	vst v16  }
0xd8: {  	v16 =	vld [tilespmem:s21+$0x20]  }
0xd9: {  	s2 =	simm.s32 $0x8380;
	v20 =	vmul.f32 v23, v11;
	v17 =	vadd.f32 v17, v5  }
0xda: {  	v21 =	vld [tilespmem:s2+$0x0]  }
0xdb: {  	v17 =	vadd.f32 v17, v19;
	v19 =	vadd.f32 v20, v6;
	v20 =	vmul.f32 v29, v8;
	_ =	sdelay $0x1  }
0xdc: {  	[tilespmem:s3+$0xFFFFFF10] =	vst v17;
	v17 =	vadd.f32 v20, v5;
	v16 =	vadd.f32 v16, v19  }
0xdd: {  	v19 =	vld [tilespmem:s21+$0xFFFFFF90]  }
0xde: {  	v22 =	vld [tilespmem:s19+$0xFFFFFF80];
	v20 =	vmul.f32 v18, v9;
	[tilespmem:s3+$0xFFFFFFB0] =	vst v16;
	v16 =	vadd.f32 v17, v21  }
0xdf: {  	s0 =	simm.s32 $0xC3F0;
	v17 =	vld [tilespmem:s21+$0x30]  }
0xe0: {  	v20 =	vadd.f32 v20, v0;
	v21 =	vmul.f32 v23, v10;
	[tilespmem:s0+$0xFFFFFF90] =	vst v16  }
0xe1: {  	v16 =	vld [tilespmem:s2+$0x10]  }
0xe2: {  	v24 =	vmul.f32 v29, v9;
	v21 =	vadd.f32 v21, v1;
	v19 =	vadd.f32 v19, v20;
	v20 =	vld [tilespmem:s2+$0xFFFFFF80]  }
0xe3: {  	v25 =	vmul.f32 v22, v8  }
0xe4: {  	[tilespmem:s3+$0xFFFFFF20] =	vst v19;
	v19 =	vadd.f32 v24, v0;
	v17 =	vadd.f32 v17, v21  }
0xe5: {  	v24 =	vadd.f32 v25, v5;
	v21 =	vld [tilespmem:s21+$0xFFFFFFA0]  }
0xe6: {  	v25 =	vmul.f32 v18, v11;
	[tilespmem:s3+$0xFFFFFFC0] =	vst v17;
	v17 =	vadd.f32 v16, v19  }
0xe7: {  	s20 =	simm.s32 $0x2480;
	v20 =	vadd.f32 v24, v20;
	v24 =	vld [tilespmem:s21+$0x40]  }
0xe8: {  	v26 =	vmul.f32 v18, v12;
	v27 =	vmul.f32 v23, v12;
	v25 =	vadd.f32 v25, v6;
	v16 =	vld [tilespmem:s20+$0x0];
	[tilespmem:s0+$0xFFFFFFA0] =	vst v17  }
0xe9: {  	v28 =	vmul.f32 v29, v11;
	v17 =	vmul.f32 v18, v13;
	[tilespmem:s0+$0xFFFFFF10] =	vst v20;
	v20 =	vld [tilespmem:s2+$0x20]  }
0xea: {  	v30 =	vmul.f32 v18, v14;
	v27 =	vadd.f32 v27, v2;
	v21 =	vadd.f32 v21, v25;
	v25 =	vld [tilespmem:s2+$0xFFFFFF90]  }
0xeb: {  	s13 =	simm.s32 $0x8480;
	v63 =	vld [tilespmem:s20+$0xFFFFFF80];
	v44 =	vmul.f32 v22, v12;
	v34 =	vadd.f32 v17, v4;
	v17 =	vmul.f32 v22, v9  }
0xec: {  	v46 =	vmul.f32 v23, v13;
	[tilespmem:s3+$0xFFFFFF30] =	vst v21;
	v21 =	vadd.f32 v24, v27;
	v24 =	vld [tilespmem:s13+$0x0];
	v27 =	vadd.f32 v28, v6  }
0xed: {  	v31 =	vadd.f32 v30, v7;
	v43 =	vmul.f32 v16, v8;
	v28 =	vadd.f32 v17, v0;
	v30 =	vld [tilespmem:s21+$0xFFFFFFB0]  }
0xee: {  	v47 =	vmul.f32 v29, v10;
	v19 =	vmul.f32 v18, v10;
	[tilespmem:s3+$0xFFFFFFD0] =	vst v21;
	v20 =	vadd.f32 v20, v27  }
0xef: {  	v21 =	vmul.f32 v22, v10;
	v25 =	vadd.f32 v25, v28;
	v28 =	vadd.f32 v43, v5;
	v27 =	vld [tilespmem:s21+$0x50]  }
0xf0: {  	v45 =	vld [tilespmem:s13+$0xFFFFFF80];
	v26 =	vadd.f32 v26, v2;
	v19 =	vadd.f32 v19, v1;
	v18 =	vmul.f32 v18, v15;
	[tilespmem:s0+$0xFFFFFFB0] =	vst v20  }
0xf1: {  	v20 =	vadd.f32 v21, v1;
	[tilespmem:s0+$0xFFFFFF20] =	vst v25;
	v21 =	vmul.f32 v63, v8;
	v24 =	vadd.f32 v28, v24;
	v25 =	vld [tilespmem:s2+$0x30]  }
0xf2: {  	s14 =	simm.s32 $0xC4F0;
	v48 =	vmul.f32 v22, v14;
	v19 =	vadd.f32 v30, v19;
	v28 =	vld [tilespmem:s2+$0xFFFFFFA0];
	v30 =	vadd.f32 v46, v4  }
0xf3: {  	v17 =	vadd.f32 v18, v3;
	v18 =	vmul.f32 v22, v11;
	v21 =	vadd.f32 v21, v5;
	[tilespmem:s14+$0xFFFFFF90] =	vst v24  }
0xf4: {  	v52 =	vmul.f32 v29, v12;
	[tilespmem:s3+$0xFFFFFF40] =	vst v19;
	v19 =	vadd.f32 v27, v30;
	v30 =	vadd.f32 v47, v1  }
0xf5: {  	v18 =	vadd.f32 v18, v6;
	v24 =	vmul.f32 v22, v13;
	v27 =	vld [tilespmem:s13+$0x10];
	v21 =	vadd.f32 v21, v45  }
0xf6: {  	v37 =	vadd.f32 v44, v2;
	v50 =	vmul.f32 v16, v9;
	v49 =	vld [tilespmem:s21+$0xFFFFFFC0];
	[tilespmem:s3+$0xFFFFFFE0] =	vst v19;
	v19 =	vadd.f32 v25, v30  }
0xf7: {  	v22 =	vmul.f32 v22, v15;
	v32 =	vadd.f32 v24, v4;
	v24 =	vadd.f32 v28, v18;
	[tilespmem:s14+$0xFFFFFF10] =	vst v21  }
0xf8: {  	v33 =	vadd.f32 v52, v2;
	v25 =	vadd.f32 v50, v0;
	v21 =	vld [tilespmem:s21+$0x60];
	[tilespmem:s0+$0xFFFFFFC0] =	vst v19  }
0xf9: {  	v30 =	vadd.f32 v48, v7;
	v18 =	vadd.f32 v22, v3;
	v22 =	vld [tilespmem:s13+$0xFFFFFF90];
	[tilespmem:s0+$0xFFFFFF30] =	vst v24;
	v24 =	vmul.f32 v23, v14  }
0xfa: {  	v28 =	vmul.f32 v63, v11;
	v19 =	vmul.f32 v63, v9;
	v25 =	vadd.f32 v27, v25;
	v27 =	vld [tilespmem:s2+$0x40]  }
0xfb: {  	s22 =	simm.s32 $0x2580;
	v23 =	vmul.f32 v23, v15;
	v26 =	vadd.f32 v49, v26;
	v51 =	vld [tilespmem:s2+$0xFFFFFFB0];
	v24 =	vadd.f32 v24, v7  }
0xfc: {  	v56 =	vmul.f32 v63, v13;
	v28 =	vadd.f32 v28, v6;
	v53 =	vadd.f32 v19, v0;
	v19 =	vld [tilespmem:s22+$0x0];
	[tilespmem:s14+$0xFFFFFFA0] =	vst v25  }
0xfd: {  	v23 =	vadd.f32 v23, v3;
	v25 =	vmul.f32 v63, v10;
	[tilespmem:s3+$0xFFFFFF50] =	vst v26;
	v26 =	vld [tilespmem:s13+$0x20];
	v21 =	vadd.f32 v21, v24  }
0xfe: {  	v55 =	vld [tilespmem:s21+$0xFFFFFFD0];
	v24 =	vmul.f32 v16, v11;
	v38 =	vadd.f32 v22, v53;
	v22 =	vadd.f32 v56, v4  }
0xff: {  	s15 =	simm.s32 $0x8580;
	v54 =	vmul.f32 v63, v12;
	v41 =	vadd.f32 v25, v1;
	v25 =	vld [tilespmem:s22+$0xFFFFFF80];
	v27 =	vadd.f32 v27, v33  }
0x100: {  	v57 =	vld [tilespmem:s15+$0x0];
	[tilespmem:s3+$0xFFFFFFF0] =	vst v21;
	v21 =	vadd.f32 v24, v6;
	v36 =	vadd.f32 v51, v20;
	v51 =	vmul.f32 v16, v10  }
0x101: {  	v61 =	vld [tilespmem:s15+$0xFFFFFF80];
	v33 =	vadd.f32 v54, v2;
	v24 =	vmul.f32 v63, v14;
	v59 =	vmul.f32 v19, v8;
	[tilespmem:s0+$0xFFFFFFD0] =	vst v27  }
0x102: {  	v27 =	vmul.f32 v63, v15;
	v54 =	vadd.f32 v51, v1;
	v26 =	vadd.f32 v26, v21;
	v60 =	vld [tilespmem:s2+$0x50]  }
0x103: {  	v58 =	vld [tilespmem:s21+$0x70];
	v63 =	vmul.f32 v29, v13;
	[tilespmem:s0+$0xFFFFFF40] =	vst v36;
	v62 =	vadd.f32 v59, v5;
	v21 =	vadd.f32 v24, v7  }
0x104: {  	v34 =	vadd.f32 v55, v34;
	v50 =	vld [tilespmem:s2+$0xFFFFFFC0];
	v20 =	vadd.f32 v27, v3;
	v24 =	vmul.f32 v25, v8;
	[tilespmem:s14+$0xFFFFFFB0] =	vst v26  }
0x105: {  	[tilespmem:s14+$0xFFFFFF20] =	vst v38;
	v49 =	vadd.f32 v63, v4;
	v26 =	vadd.f32 v62, v57;
	v48 =	vld [tilespmem:s13+$0x30]  }
0x106: {  	s19 =	simm.s32 $0xC5F0;
	v27 =	vld [tilespmem:s13+$0xFFFFFFA0];
	v52 =	vmul.f32 v25, v9;
	v55 =	vmul.f32 v25, v11;
	[tilespmem:s3+$0xFFFFFF60] =	vst v34;
	v24 =	vadd.f32 v24, v5  }
0x107: {  	v46 =	vmul.f32 v25, v14;
	v47 =	vmul.f32 v25, v15;
	v56 =	vld [tilespmem:s21+$0xFFFFFFE0];
	[tilespmem:s19+$0xFFFFFF90] =	vst v26;
	v26 =	vadd.f32 v60, v49  }
0x108: {  	s18 =	simm.s32 $0x8680;
	v57 =	vmul.f32 v19, v9;
	v62 =	vmul.f32 v25, v13;
	v24 =	vadd.f32 v24, v61;
	v53 =	vld [tilespmem:s15+$0x10]  }
0x109: {  	s23 =	simm.s32 $0x2680;
	v43 =	vadd.f32 v58, v23;
	v23 =	vmul.f32 v25, v10;
	v39 =	vadd.f32 v55, v6;
	v55 =	vld [tilespmem:s18+$0x0];
	[tilespmem:s0+$0xFFFFFFE0] =	vst v26  }
0x10a: {  	v60 =	vmul.f32 v25, v12;
	v25 =	vadd.f32 v46, v7;
	v46 =	vld [tilespmem:s23+$0xFFFFFF80];
	[tilespmem:s19+$0xFFFFFF10] =	vst v24;
	v24 =	vadd.f32 v48, v54  }
0x10b: {  	v27 =	vadd.f32 v27, v28;
	v28 =	vadd.f32 v57, v0;
	v26 =	vld [tilespmem:s2+$0x60]  }
0x10c: {  	v59 =	vmul.f32 v29, v14;
	v58 =	vld [tilespmem:s15+$0xFFFFFF90];
	[tilespmem:s14+$0xFFFFFFC0] =	vst v24  }
0x10d: {  	v29 =	vmul.f32 v29, v15;
	[tilespmem:s14+$0xFFFFFF30] =	vst v27;
	v27 =	vadd.f32 v50, v37;
	v35 =	vadd.f32 v53, v28;
	v63 =	vld [tilespmem:s13+$0x40]  }
0x10e: {  	v37 =	vadd.f32 v59, v7;
	v28 =	vadd.f32 v23, v1;
	v23 =	vmul.f32 v16, v12;
	v24 =	vld [tilespmem:s23+$0x0]  }
0x10f: {  	v29 =	vadd.f32 v29, v3;
	v34 =	vadd.f32 v52, v0;
	v52 =	vmul.f32 v19, v11;
	v61 =	vld [tilespmem:s13+$0xFFFFFFB0];
	[tilespmem:s19+$0xFFFFFFA0] =	vst v35  }
0x110: {  	[tilespmem:s0+$0xFFFFFF50] =	vst v27;
	v51 =	vadd.f32 v23, v2;
	v49 =	vadd.f32 v26, v37;
	v50 =	vld [tilespmem:s15+$0x20]  }
0x111: {  	v31 =	vadd.f32 v56, v31;
	v56 =	vadd.f32 v52, v6;
	v48 =	vld [tilespmem:s2+$0xFFFFFFD0]  }
0x112: {  	v59 =	vld [tilespmem:s18+$0xFFFFFF80];
	v27 =	vadd.f32 v60, v2;
	v60 =	vmul.f32 v46, v8;
	[tilespmem:s0+$0xFFFFFFF0] =	vst v49;
	v53 =	vadd.f32 v63, v51  }
0x113: {  	[tilespmem:s3+$0x0] =	vst v43;
	v23 =	vadd.f32 v47, v3;
	v34 =	vadd.f32 v58, v34;
	v57 =	vmul.f32 v24, v8;
	v54 =	vld [tilespmem:s2+$0x70]  }
0x114: {  	v40 =	vadd.f32 v61, v41;
	v41 =	vadd.f32 v60, v5;
	[tilespmem:s14+$0xFFFFFFD0] =	vst v53  }
0x115: {  	[tilespmem:s3+$0xFFFFFF70] =	vst v31;
	v38 =	vadd.f32 v57, v5;
	v58 =	vadd.f32 v50, v56;
	v37 =	vld [tilespmem:s13+$0x50]  }
0x116: {  	v26 =	vadd.f32 v62, v4;
	v61 =	vmul.f32 v16, v13;
	[tilespmem:s19+$0xFFFFFF20] =	vst v34;
	v32 =	vadd.f32 v48, v32  }
0x117: {  	v62 =	vld [tilespmem:s15+$0xFFFFFFA0];
	v63 =	vmul.f32 v46, v9;
	v34 =	vadd.f32 v41, v59;
	v53 =	vadd.f32 v38, v55;
	[tilespmem:s19+$0xFFFFFFB0] =	vst v58  }
0x118: {  	v52 =	vmul.f32 v46, v11;
	[tilespmem:s14+$0xFFFFFF40] =	vst v40;
	v55 =	vadd.f32 v61, v4;
	v48 =	vadd.f32 v54, v29;
	v54 =	vld [tilespmem:s15+$0x30]  }
0x119: {  	s23 =	simm.s32 $0xC6F0;
	v59 =	vmul.f32 v46, v13;
	v57 =	vmul.f32 v19, v10;
	[tilespmem:s0+$0xFFFFFF60] =	vst v32;
	v56 =	vld [tilespmem:s13+$0xFFFFFFC0];
	v36 =	vadd.f32 v63, v0  }
0x11a: {  	v31 =	vld [tilespmem:s21+$0xFFFFFFF0];
	v32 =	vadd.f32 v52, v6;
	[tilespmem:s23+$0xFFFFFF90] =	vst v53;
	v37 =	vadd.f32 v37, v55  }
0x11b: {  	[tilespmem:s23+$0xFFFFFF10] =	vst v34;
	v34 =	vadd.f32 v59, v4;
	v43 =	vadd.f32 v57, v1;
	v61 =	vmul.f32 v24, v9;
	v60 =	vld [tilespmem:s18+$0x10]  }
0x11c: {  	v49 =	vld [tilespmem:s2+$0xFFFFFFE0];
	v58 =	vmul.f32 v46, v12;
	v29 =	vmul.f32 v46, v10;
	v39 =	vadd.f32 v62, v39;
	[tilespmem:s14+$0xFFFFFFE0] =	vst v37  }
0x11d: {  	v62 =	vmul.f32 v46, v14;
	v44 =	vadd.f32 v61, v0;
	v40 =	vadd.f32 v54, v43;
	v37 =	vld [tilespmem:s13+$0x60]  }
0x11e: {  	v63 =	vmul.f32 v16, v14;
	v38 =	vadd.f32 v29, v1;
	[tilespmem:s19+$0xFFFFFF30] =	vst v39;
	v33 =	vadd.f32 v56, v33;
	v43 =	vld [tilespmem:s18+$0xFFFFFF90]  }
0x11f: {  	v46 =	vmul.f32 v46, v15;
	v29 =	vadd.f32 v58, v2;
	v35 =	vadd.f32 v62, v7;
	v42 =	vld [tilespmem:s15+$0xFFFFFFB0];
	[tilespmem:s19+$0xFFFFFFC0] =	vst v40  }
0x120: {  	[tilespmem:s14+$0xFFFFFF50] =	vst v33;
	v45 =	vadd.f32 v60, v44;
	v40 =	vadd.f32 v63, v7;
	v41 =	vld [tilespmem:s15+$0x40]  }
0x121: {  	s20 =	simm.s32 $0x8;
	s22 =	simm.s32 $0x2780;
	s21 =	simm.s32 $0x8680;
	[tilespmem:s0+$0x0] =	vst v48;
	v30 =	vadd.f32 v49, v30;
	v33 =	vadd.f32 v46, v3;
	v39 =	vld [tilespmem:s13+$0xFFFFFFD0];
	v44 =	vmul.f32 v19, v12  }
.LBB2_4:
0x122: {  	v46 =	vld [tilespmem:s22+$0x0];
	s20 =	sadd.s32 $0x2, s20;
	[tilespmem:s23+$0xFFFFFFA0] =	vst v45;
	v37 =	vadd.f32 v37, v40;
	v31 =	vadd.f32 v31, v17;
	v47 =	vmovc v21;
	v21 =	vmov v25  }
0x123: {  	v25 =	vmovc v35;
	v17 =	vmov v18;
	p0 =	slt.u32 s20, $0x3E;
	v36 =	vadd.f32 v43, v36;
	v40 =	vld [tilespmem:s18+$0x20];
	v43 =	vadd.f32 v44, v2;
	[tilespmem:s0+$0xFFFFFF70] =	vst v30  }
0x124: {  	v35 =	vmul.f32 v24, v11;
	v18 =	vmovc v20;
	v30 =	vld [tilespmem:s22+$0xFFFFFF80];
	v42 =	vadd.f32 v42, v28;
	[tilespmem:s14+$0xFFFFFFF0] =	vst v37;
	v28 =	vmov v38  }
0x125: {  	v20 =	vmov v23;
	s18 =	sadd.s32 $0x100, s18;
	v23 =	vmov v33;
	[tilespmem:s23+$0xFFFFFF20] =	vst v36;
	v36 =	vadd.f32 v41, v43;
	v37 =	vld [tilespmem:s13+$0x70]  }
0x126: {  	v35 =	vadd.f32 v35, v6;
	v33 =	vld [tilespmem:s18+$0x0];
	[tilespmem:s19+$0xFFFFFF40] =	vst v42;
	v38 =	vadd.f32 v39, v22;
	v39 =	vmul.f32 v16, v15  }
0x127: {  	v16 =	vmovc v19;
	v19 =	vmovc v24;
	v22 =	vmov v26;
	v41 =	vld [tilespmem:s18+$0xFFFFFF80];
	v42 =	vmul.f32 v46, v8;
	[tilespmem:s19+$0xFFFFFFD0] =	vst v36;
	v24 =	vmov v46  }
0x128: {  	v26 =	vmov v34;
	v35 =	vadd.f32 v40, v35;
	v40 =	vld [tilespmem:s15+$0x50];
	[tilespmem:s14+$0xFFFFFF60] =	vst v38;
	v36 =	vadd.f32 v39, v3  }
0x129: {  	v34 =	vmul.f32 v30, v8;
	v38 =	vadd.f32 v42, v5;
	v39 =	vld [tilespmem:s21+$0xFFFFFFA0];
	v42 =	vmul.f32 v16, v13;
	[tilespmem:s3+$0xFFFFFF80] =	vst v31;
	s3 =	smov.u32 s0;
	s0 =	smov.u32 s14;
	s14 =	smov.u32 s19  }
0x12a: {  	v31 =	vmul.f32 v30, v9;
	v43 =	vmul.f32 v30, v11;
	s19 =	smov.u32 s23;
	[tilespmem:s23+$0xFFFFFFB0] =	vst v35;
	v35 =	vld [tilespmem:s15+$0xFFFFFFC0];
	v37 =	vadd.f32 v37, v36  }
0x12b: {  	v44 =	vmul.f32 v30, v10;
	v33 =	vadd.f32 v38, v33;
	v45 =	vld [tilespmem:s21+$0x30];
	v38 =	vadd.f32 v42, v4  }
0x12c: {  	s23 =	sadd.s32 $0x100, s23;
	v34 =	vadd.f32 v34, v5;
	v36 =	vadd.f32 v31, v0;
	v42 =	vmul.f32 v19, v10;
	v46 =	vld [tilespmem:s13+$0xFFFFFFE0];
	[tilespmem:s0+$0x0] =	vst v37  }
0x12d: {  	v48 =	vadd.f32 v43, v6;
	v37 =	vmul.f32 v30, v12;
	[tilespmem:s23+$0xFFFFFF90] =	vst v33;
	v33 =	vadd.f32 v40, v38;
	v31 =	vld [tilespmem:s2+$0xFFFFFFF0];
	s2 =	smov.u32 s13;
	s13 =	smov.u32 s15;
	s15 =	smov.u32 s21  }
0x12e: {  	v34 =	vadd.f32 v34, v41;
	v40 =	vmul.f32 v30, v13;
	v42 =	vadd.f32 v42, v1;
	s21 =	smov.u32 s18;
	v41 =	vld [tilespmem:s18+$0x10]  }
0x12f: {  	v38 =	vadd.f32 v44, v1;
	v44 =	vmul.f32 v24, v9;
	v32 =	vadd.f32 v39, v32;
	[tilespmem:s14+$0xFFFFFFE0] =	vst v33  }
.Ltmp1:
0x130: {  	v49 =	vadd.f32 v37, v2;
	v33 =	vmul.f32 v30, v14;
	[tilespmem:s23+$0xFFFFFF10] =	vst v34;
	v39 =	vadd.f32 v45, v42;
	v37 =	vld [tilespmem:s13+$0x60];
	(pc) =	sbr.rel @p0 .LBB2_4-.Ltmp1, $4  }
0x131: {  	v50 =	vmul.f32 v16, v14;
	v44 =	vadd.f32 v44, v0;
	v51 =	vadd.f32 v35, v27;
	v43 =	vld [tilespmem:s18+$0xFFFFFF90];
	[tilespmem:s19+$0xFFFFFF30] =	vst v32  }
0x132: {  	v30 =	vmul.f32 v30, v15;
	v34 =	vadd.f32 v40, v4;
	v35 =	vadd.f32 v33, v7;
	v42 =	vld [tilespmem:s15+$0xFFFFFFB0];
	[tilespmem:s19+$0xFFFFFFC0] =	vst v39  }
0x133: {  	v27 =	vmovc v29;
	v40 =	vadd.f32 v50, v7;
	v32 =	vmov v48;
	v45 =	vadd.f32 v41, v44;
	v41 =	vld [tilespmem:s15+$0x40];
	[tilespmem:s14+$0xFFFFFF50] =	vst v51  }
0x134: {  	s22 =	sadd.s32 $0x100, s22;
	v29 =	vmovc v49;
	v33 =	vadd.f32 v30, v3;
	v30 =	vadd.f32 v46, v47;
	v44 =	vmul.f32 v19, v12;
	v39 =	vld [tilespmem:s13+$0xFFFFFFD0]  }
0x135: {  	_ = 	snop  }
0x136: {  	[tilespmem:s23+$0xFFFFFFA0] =	vst v45;
	v36 =	vadd.f32 v43, v36  }
0x137: {  	v62 =	vld [tilespmem:s18+$0x20]  }
0x138: {  	v63 =	vmul.f32 v24, v11;
	[tilespmem:s23+$0xFFFFFF20] =	vst v36  }
0x139: {  	v36 =	vld [tilespmem:s21+$0xFFFFFFA0]  }
0x13a: {  	v45 =	vadd.f32 v63, v6;
	_ =	sdelay $0x1  }
0x13b: {  	v43 =	vadd.f32 v62, v45;
	_ =	sdelay $0x1  }
0x13c: {  	[tilespmem:s23+$0xFFFFFFB0] =	vst v43;
	v32 =	vadd.f32 v36, v32  }
0x13d: {  	v45 =	vld [tilespmem:s21+$0x30]  }
0x13e: {  	v46 =	vmul.f32 v24, v10;
	[tilespmem:s23+$0xFFFFFF30] =	vst v32  }
0x13f: {  	v32 =	vld [tilespmem:s21+$0xFFFFFFB0]  }
0x140: {  	v43 =	vadd.f32 v46, v1;
	_ =	sdelay $0x1  }
0x141: {  	v36 =	vadd.f32 v45, v43  }
0x142: {  	v28 =	vadd.f32 v42, v28  }
0x143: {  	[tilespmem:s23+$0xFFFFFFC0] =	vst v36;
	v32 =	vadd.f32 v32, v38  }
0x144: {  	[tilespmem:s19+$0xFFFFFF40] =	vst v28;
	v28 =	vld [tilespmem:s21+$0x40]  }
0x145: {  	v49 =	vmul.f32 v24, v12;
	v47 =	vadd.f32 v44, v2;
	v48 =	vld [tilespmem:s15+$0xFFFFFFC0];
	[tilespmem:s23+$0xFFFFFF40] =	vst v32  }
0x146: {  	v32 =	vld [tilespmem:s21+$0xFFFFFFC0]  }
0x147: {  	v50 =	vadd.f32 v49, v2;
	v36 =	vadd.f32 v41, v47;
	_ =	sdelay $0x1  }
0x148: {  	[tilespmem:s19+$0xFFFFFFD0] =	vst v36;
	v28 =	vadd.f32 v28, v50  }
0x149: {  	v27 =	vadd.f32 v48, v27;
	v36 =	vld [tilespmem:s15+$0x50]  }
0x14a: {  	v51 =	vmul.f32 v19, v13;
	[tilespmem:s23+$0xFFFFFFD0] =	vst v28;
	v28 =	vadd.f32 v32, v29  }
0x14b: {  	[tilespmem:s19+$0xFFFFFF50] =	vst v27;
	v27 =	vld [tilespmem:s21+$0x50]  }
0x14c: {  	v53 =	vmul.f32 v24, v13;
	v52 =	vld [tilespmem:s15+$0xFFFFFFD0];
	v29 =	vadd.f32 v51, v4;
	[tilespmem:s23+$0xFFFFFF50] =	vst v28  }
0x14d: {  	v28 =	vld [tilespmem:s21+$0xFFFFFFD0]  }
0x14e: {  	v54 =	vadd.f32 v53, v4;
	v29 =	vadd.f32 v36, v29  }
0x14f: {  	v22 =	vadd.f32 v39, v22  }
0x150: {  	[tilespmem:s19+$0xFFFFFFE0] =	vst v29;
	v27 =	vadd.f32 v27, v54  }
0x151: {  	[tilespmem:s14+$0xFFFFFF60] =	vst v22;
	v26 =	vadd.f32 v52, v26;
	v22 =	vld [tilespmem:s15+$0x60]  }
0x152: {  	v55 =	vmul.f32 v19, v14;
	v29 =	vld [tilespmem:s13+$0xFFFFFFE0];
	[tilespmem:s23+$0xFFFFFFE0] =	vst v27;
	v27 =	vadd.f32 v28, v34  }
0x153: {  	[tilespmem:s19+$0xFFFFFF60] =	vst v26;
	v26 =	vld [tilespmem:s21+$0x60]  }
0x154: {  	v57 =	vmul.f32 v24, v14;
	v56 =	vld [tilespmem:s15+$0xFFFFFFE0];
	v32 =	vadd.f32 v55, v7;
	v28 =	vadd.f32 v37, v40;
	[tilespmem:s23+$0xFFFFFF60] =	vst v27  }
0x155: {  	v27 =	vld [tilespmem:s21+$0xFFFFFFE0]  }
0x156: {  	[tilespmem:s14+$0xFFFFFFF0] =	vst v28;
	v22 =	vadd.f32 v22, v32;
	v28 =	vadd.f32 v57, v7  }
0x157: {  	[tilespmem:s0+$0xFFFFFF70] =	vst v30;
	v21 =	vadd.f32 v29, v21;
	v30 =	vld [tilespmem:s13+$0x70]  }
0x158: {  	v16 =	vmul.f32 v16, v15;
	v29 =	vld [tilespmem:s2+$0xFFFFFFF0];
	[tilespmem:s19+$0xFFFFFFF0] =	vst v22;
	v22 =	vadd.f32 v26, v28  }
0x159: {  	v25 =	vadd.f32 v56, v25;
	[tilespmem:s14+$0xFFFFFF70] =	vst v21;
	v21 =	vld [tilespmem:s15+$0x70]  }
0x15a: {  	v19 =	vmul.f32 v19, v15;
	v16 =	vadd.f32 v16, v3;
	v26 =	vld [tilespmem:s13+$0xFFFFFFF0];
	[tilespmem:s23+$0xFFFFFFF0] =	vst v22;
	v22 =	vadd.f32 v27, v35  }
0x15b: {  	v17 =	vadd.f32 v31, v17;
	[tilespmem:s19+$0xFFFFFF70] =	vst v25;
	v25 =	vld [tilespmem:s21+$0x70]  }
0x15c: {  	v24 =	vmul.f32 v24, v15;
	v19 =	vadd.f32 v19, v3;
	v16 =	vadd.f32 v30, v16;
	v27 =	vld [tilespmem:s15+$0xFFFFFFF0];
	[tilespmem:s23+$0xFFFFFF70] =	vst v22  }
0x15d: {  	[tilespmem:s3+$0xFFFFFF80] =	vst v17;
	v17 =	vadd.f32 v29, v18;
	v18 =	vld [tilespmem:s21+$0xFFFFFFF0]  }
0x15e: {  	[tilespmem:s14+$0x0] =	vst v16;
	v16 =	vadd.f32 v21, v19;
	v19 =	vadd.f32 v24, v3  }
0x15f: {  	[tilespmem:s0+$0xFFFFFF80] =	vst v17;
	v17 =	vadd.f32 v26, v20  }
0x160: {  	[tilespmem:s19+$0x0] =	vst v16;
	v16 =	vadd.f32 v25, v19  }
0x161: {  	[tilespmem:s14+$0xFFFFFF80] =	vst v17;
	v17 =	vadd.f32 v27, v23  }
0x162: {  	[tilespmem:s23+$0x0] =	vst v16;
	v16 =	vadd.f32 v18, v33  }
0x163: {  	[tilespmem:s19+$0xFFFFFF80] =	vst v17  }
0x164: {  	s0 =	simm.s32 $0x0;
	s14 =	simm.s32 $0xC200;
	[tilespmem:s23+$0xFFFFFF80] =	vst v16;
	s23 =	simm.s32 $0x80  }
0x165: {  	[tilespmem:s14], [sflag:$0x2] =	stream.indirect.gather.add.f32 [hbm:s1], $0x80, s23, s17, $0xb8;
	[tilespmem:$0x12300] =	vst v63  }
0x166: {  	v16 =	vld [tilespmem:s0+$0x8230]  }
0x167: {  	v26 =	vld [tilespmem:s0+$0x82F0]  }
0x168: {  	v17 =	vld [tilespmem:s0+$0x82D0]  }
0x169: {  	v18 =	vld [tilespmem:s0+$0x4280]  }
0x16a: {  	v22 =	vld [tilespmem:s0+$0x4200]  }
0x16b: {  	v19 =	vld [tilespmem:s0+$0x8290]  }
0x16c: {  	v23 =	vld [tilespmem:s0+$0x8240]  }
0x16d: {  	v21 =	vld [tilespmem:s0+$0x8250]  }
0x16e: {  	v24 =	vld [tilespmem:s0+$0x8260];
	v25 =	vmul.f32 v18, v8;
	v27 =	vmul.f32 v18, v11  }
0x16f: {  	v20 =	vld [tilespmem:s0+$0x8270];
	v28 =	vmul.f32 v22, v9;
	v29 =	vmul.f32 v18, v15  }
0x170: {  	v59 =	vld [tilespmem:s0+$0x8280];
	v58 =	vmul.f32 v22, v11;
	v62 =	vmul.f32 v22, v12  }
0x171: {  	v60 =	vld [tilespmem:s0+$0x8210];
	v33 =	vmul.f32 v22, v13;
	v37 =	vmul.f32 v22, v14  }
0x172: {  	v31 =	vld [tilespmem:s0+$0x8220];
	v40 =	vmul.f32 v22, v8;
	v30 =	vadd.f32 v27, v6;
	v61 =	vadd.f32 v28, v0  }
0x173: {  	v34 =	vld [tilespmem:s0+$0x82A0];
	v36 =	vmul.f32 v22, v15;
	v28 =	vadd.f32 v25, v5;
	v63 =	vadd.f32 v29, v3  }
0x174: {  	v35 =	vld [tilespmem:s0+$0x8200];
	v27 =	vmul.f32 v18, v14;
	v32 =	vadd.f32 v58, v6;
	v39 =	vadd.f32 v62, v2  }
0x175: {  	v25 =	vmul.f32 v18, v9;
	v38 =	vadd.f32 v28, v59;
	v28 =	vld [tilespmem:s0+$0x82C0];
	v41 =	vadd.f32 v26, v63  }
0x176: {  	s3 =	simm.s32 $0x400;
	s2 =	simm.s32 $0x0;
	v29 =	vadd.f32 v27, v7;
	v27 =	vmul.f32 v18, v10;
	v42 =	vadd.f32 v60, v61;
	v26 =	vld [tilespmem:s0+$0x82B0]  }
.LBB2_6:
0x177: {  	s13 =	sshra.s32 s3, $0x2;
	s2 =	sadd.s32 $0x2, s2;
	v40 =	vadd.f32 v40, v5;
	v37 =	vadd.f32 v37, v7;
	v43 =	vmul.f32 v18, v12;
	v44 =	vld [tilespmem:s0+$0x82E0];
	[tilespmem:s0+$0xE2F0] =	vst v41  }
0x178: {  	v41 =	vld [tilespmem:s13+$0x8230];
	p0 =	slt.u32 s2, $0x3E;
	[tilespmem:s0+$0xE210] =	vst v42;
	v42 =	vmul.f32 v22, v10;
	v39 =	vadd.f32 v23, v39;
	v22 =	vadd.f32 v34, v30  }
0x179: {  	v30 =	vadd.f32 v33, v4;
	v45 =	vld [tilespmem:s13+$0x82F0];
	v23 =	vadd.f32 v40, v35;
	[tilespmem:s0+$0xE280] =	vst v38  }
0x17a: {  	v31 =	vadd.f32 v31, v32;
	v32 =	vadd.f32 v36, v3;
	v33 =	vld [tilespmem:s13+$0x82D0];
	[tilespmem:s0+$0xE2A0] =	vst v22  }
0x17b: {  	v34 =	vmul.f32 v18, v13;
	[tilespmem:s0+$0xE200] =	vst v23;
	v23 =	vadd.f32 v24, v37;
	v24 =	vadd.f32 v43, v2;
	v18 =	vld [tilespmem:s13+$0x4280]  }
0x17c: {  	v30 =	vadd.f32 v21, v30;
	v22 =	vld [tilespmem:s13+$0x4200];
	[tilespmem:s0+$0xE220] =	vst v31;
	v31 =	vadd.f32 v42, v1  }
0x17d: {  	v34 =	vadd.f32 v34, v4;
	v29 =	vadd.f32 v44, v29;
	v36 =	vld [tilespmem:s13+$0x8290];
	[tilespmem:s0+$0xE260] =	vst v23  }
0x17e: {  	v28 =	vadd.f32 v28, v24;
	v23 =	vld [tilespmem:s13+$0x8240];
	v31 =	vadd.f32 v16, v31;
	[tilespmem:s0+$0xE240] =	vst v39;
	v16 =	vmov v41  }
0x17f: {  	v32 =	vadd.f32 v20, v32;
	v21 =	vld [tilespmem:s13+$0x8250];
	[tilespmem:s0+$0xE250] =	vst v30;
	v30 =	vadd.f32 v17, v34;
	v17 =	vmov v33  }
0x180: {  	v27 =	vadd.f32 v27, v1;
	v24 =	vld [tilespmem:s13+$0x8260];
	v34 =	vmul.f32 v18, v8;
	v33 =	vmul.f32 v18, v11;
	[tilespmem:s0+$0xE2E0] =	vst v29  }
0x181: {  	v25 =	vadd.f32 v25, v0;
	v35 =	vmul.f32 v18, v15;
	v29 =	vmul.f32 v22, v9;
	v20 =	vld [tilespmem:s13+$0x8270];
	[tilespmem:s0+$0xE2D0] =	vst v30  }
0x182: {  	v26 =	vadd.f32 v26, v27;
	v37 =	vmul.f32 v22, v11;
	v38 =	vld [tilespmem:s13+$0x8280];
	v30 =	vadd.f32 v33, v6;
	[tilespmem:s0+$0xE230] =	vst v31  }
0x183: {  	v27 =	vmul.f32 v18, v14;
	v43 =	vmul.f32 v22, v12;
	v39 =	vld [tilespmem:s13+$0x8210];
	v42 =	vadd.f32 v29, v0;
	[tilespmem:s0+$0xE270] =	vst v32  }
.Ltmp2:
0x184: {  	v44 =	vadd.f32 v19, v25;
	v33 =	vmul.f32 v22, v13;
	v32 =	vadd.f32 v37, v6;
	v31 =	vld [tilespmem:s13+$0x8220];
	[tilespmem:s0+$0xE2C0] =	vst v28;
	(pc) =	sbr.rel @p0 .LBB2_6-.Ltmp2, $4  }
0x185: {  	v41 =	vadd.f32 v35, v3;
	v37 =	vmul.f32 v22, v14;
	v28 =	vadd.f32 v34, v5;
	v34 =	vld [tilespmem:s13+$0x82A0];
	[tilespmem:s0+$0xE2B0] =	vst v26  }
0x186: {  	v25 =	vmul.f32 v18, v9;
	v40 =	vmul.f32 v22, v8;
	v29 =	vadd.f32 v27, v7;
	v35 =	vld [tilespmem:s13+$0x8200];
	[tilespmem:s0+$0xE290] =	vst v44;
	s0 =	smov.u32 s13  }
0x187: {  	v19 =	vmovc v36;
	v27 =	vmul.f32 v18, v10;
	v41 =	vadd.f32 v45, v41;
	v38 =	vadd.f32 v28, v38;
	v28 =	vld [tilespmem:s0+$0x82C0]  }
0x188: {  	s3 =	sadd.s32 $0x400, s3;
	v36 =	vmul.f32 v22, v15;
	v42 =	vadd.f32 v39, v42;
	v39 =	vadd.f32 v43, v2;
	v26 =	vld [tilespmem:s0+$0x82B0]  }
0x189: {  	[tilespmem:s0+$0xE2F0] =	vst v41  }
0x18a: {  	[tilespmem:s0+$0xE280] =	vst v38;
	v31 =	vadd.f32 v31, v32  }
0x18b: {  	v40 =	vadd.f32 v40, v5;
	v22 =	vmul.f32 v22, v10;
	[tilespmem:s0+$0xE210] =	vst v42;
	v30 =	vadd.f32 v34, v30  }
0x18c: {  	v43 =	vld [tilespmem:s0+$0x82E0];
	v56 =	vadd.f32 v37, v7;
	v23 =	vadd.f32 v23, v39;
	[tilespmem:s0+$0xE220] =	vst v31  }
0x18d: {  	v35 =	vadd.f32 v40, v35;
	v22 =	vadd.f32 v22, v1;
	[tilespmem:s0+$0xE2A0] =	vst v30  }
0x18e: {  	v57 =	vmul.f32 v18, v13;
	v24 =	vadd.f32 v24, v56;
	v30 =	vadd.f32 v33, v4;
	[tilespmem:s0+$0xE240] =	vst v23  }
0x18f: {  	[tilespmem:s0+$0xE200] =	vst v35;
	v16 =	vadd.f32 v16, v22  }
0x190: {  	v18 =	vmul.f32 v18, v12;
	[tilespmem:s0+$0xE260] =	vst v24;
	v24 =	vadd.f32 v57, v4;
	v21 =	vadd.f32 v21, v30  }
0x191: {  	v23 =	vadd.f32 v36, v3;
	v29 =	vadd.f32 v43, v29;
	[tilespmem:s0+$0xE230] =	vst v16  }
0x192: {  	v18 =	vadd.f32 v18, v2;
	v17 =	vadd.f32 v17, v24;
	[tilespmem:s0+$0xE250] =	vst v21  }
0x193: {  	v20 =	vadd.f32 v20, v23;
	[tilespmem:s0+$0xE2E0] =	vst v29;
	v21 =	vadd.f32 v27, v1  }
0x194: {  	[tilespmem:s0+$0xE2D0] =	vst v17;
	v17 =	vadd.f32 v28, v18;
	v18 =	vadd.f32 v25, v0  }
0x195: {  	[tilespmem:s0+$0xE270] =	vst v20;
	v16 =	vadd.f32 v26, v21  }
0x196: {  	v18 =	vadd.f32 v19, v18;
	[tilespmem:s0+$0xE2C0] =	vst v17  }
0x197: {  	[tilespmem:s0+$0xE2B0] =	vst v16  }
0x198: {  	s23 =	simm.s32 $0x100;
	s15 =	simm.s32 $0xE200;
	[tilespmem:s0+$0xE290] =	vst v18;
	s0 =	simm.s32 $0x0  }
0x199: {  	[tilespmem:s15], [sflag:$0x3] =	stream.indirect.gather.add.f32 [hbm:s1], $0x80, s23, s17, $0xb8;
	[tilespmem:$0x12300] =	vst v63  }
0x19a: {  	v16 =	vld [tilespmem:s0+$0x8230]  }
0x19b: {  	v26 =	vld [tilespmem:s0+$0x82F0]  }
0x19c: {  	v17 =	vld [tilespmem:s0+$0x82D0]  }
0x19d: {  	v18 =	vld [tilespmem:s0+$0x6280]  }
0x19e: {  	v22 =	vld [tilespmem:s0+$0x6200]  }
0x19f: {  	v19 =	vld [tilespmem:s0+$0x8290]  }
0x1a0: {  	v23 =	vld [tilespmem:s0+$0x8240]  }
0x1a1: {  	v21 =	vld [tilespmem:s0+$0x8250]  }
0x1a2: {  	v24 =	vld [tilespmem:s0+$0x8260];
	v25 =	vmul.f32 v18, v8;
	v27 =	vmul.f32 v18, v11  }
0x1a3: {  	v20 =	vld [tilespmem:s0+$0x8270];
	v28 =	vmul.f32 v22, v9;
	v29 =	vmul.f32 v18, v15  }
0x1a4: {  	v59 =	vld [tilespmem:s0+$0x8280];
	v58 =	vmul.f32 v22, v11;
	v62 =	vmul.f32 v22, v12  }
0x1a5: {  	v60 =	vld [tilespmem:s0+$0x8210];
	v33 =	vmul.f32 v22, v13;
	v37 =	vmul.f32 v22, v14  }
0x1a6: {  	v31 =	vld [tilespmem:s0+$0x8220];
	v40 =	vmul.f32 v22, v8;
	v30 =	vadd.f32 v27, v6;
	v61 =	vadd.f32 v28, v0  }
0x1a7: {  	v34 =	vld [tilespmem:s0+$0x82A0];
	v36 =	vmul.f32 v22, v15;
	v28 =	vadd.f32 v25, v5;
	v63 =	vadd.f32 v29, v3  }
0x1a8: {  	v35 =	vld [tilespmem:s0+$0x8200];
	v27 =	vmul.f32 v18, v14;
	v32 =	vadd.f32 v58, v6;
	v39 =	vadd.f32 v62, v2  }
0x1a9: {  	v25 =	vmul.f32 v18, v9;
	v38 =	vadd.f32 v28, v59;
	v28 =	vld [tilespmem:s0+$0x82C0];
	v41 =	vadd.f32 v26, v63  }
0x1aa: {  	s2 =	simm.s32 $0x0;
	s3 =	simm.s32 $0x400;
	v29 =	vadd.f32 v27, v7;
	v27 =	vmul.f32 v18, v10;
	v42 =	vadd.f32 v60, v61;
	v26 =	vld [tilespmem:s0+$0x82B0]  }
.LBB2_8:
0x1ab: {  	s13 =	sshra.s32 s3, $0x2;
	s2 =	sadd.s32 $0x2, s2;
	v40 =	vadd.f32 v40, v5;
	v37 =	vadd.f32 v37, v7;
	v43 =	vmul.f32 v18, v12;
	v44 =	vld [tilespmem:s0+$0x82E0];
	[tilespmem:s0+$0x102F0] =	vst v41  }
0x1ac: {  	v41 =	vld [tilespmem:s13+$0x8230];
	p0 =	slt.u32 s2, $0x3E;
	[tilespmem:s0+$0x10210] =	vst v42;
	v42 =	vmul.f32 v22, v10;
	v39 =	vadd.f32 v23, v39;
	v22 =	vadd.f32 v34, v30  }
0x1ad: {  	v30 =	vadd.f32 v33, v4;
	v45 =	vld [tilespmem:s13+$0x82F0];
	v23 =	vadd.f32 v40, v35;
	[tilespmem:s0+$0x10280] =	vst v38  }
0x1ae: {  	v31 =	vadd.f32 v31, v32;
	v32 =	vadd.f32 v36, v3;
	v33 =	vld [tilespmem:s13+$0x82D0];
	[tilespmem:s0+$0x102A0] =	vst v22  }
0x1af: {  	v34 =	vmul.f32 v18, v13;
	[tilespmem:s0+$0x10200] =	vst v23;
	v23 =	vadd.f32 v24, v37;
	v24 =	vadd.f32 v43, v2;
	v18 =	vld [tilespmem:s13+$0x6280]  }
0x1b0: {  	v30 =	vadd.f32 v21, v30;
	v22 =	vld [tilespmem:s13+$0x6200];
	[tilespmem:s0+$0x10220] =	vst v31;
	v31 =	vadd.f32 v42, v1  }
0x1b1: {  	v34 =	vadd.f32 v34, v4;
	v29 =	vadd.f32 v44, v29;
	v36 =	vld [tilespmem:s13+$0x8290];
	[tilespmem:s0+$0x10260] =	vst v23  }
0x1b2: {  	v28 =	vadd.f32 v28, v24;
	v23 =	vld [tilespmem:s13+$0x8240];
	v31 =	vadd.f32 v16, v31;
	[tilespmem:s0+$0x10240] =	vst v39;
	v16 =	vmov v41  }
0x1b3: {  	v32 =	vadd.f32 v20, v32;
	v21 =	vld [tilespmem:s13+$0x8250];
	[tilespmem:s0+$0x10250] =	vst v30;
	v30 =	vadd.f32 v17, v34;
	v17 =	vmov v33  }
0x1b4: {  	v27 =	vadd.f32 v27, v1;
	v24 =	vld [tilespmem:s13+$0x8260];
	v34 =	vmul.f32 v18, v8;
	v33 =	vmul.f32 v18, v11;
	[tilespmem:s0+$0x102E0] =	vst v29  }
0x1b5: {  	v25 =	vadd.f32 v25, v0;
	v35 =	vmul.f32 v18, v15;
	v29 =	vmul.f32 v22, v9;
	v20 =	vld [tilespmem:s13+$0x8270];
	[tilespmem:s0+$0x102D0] =	vst v30  }
0x1b6: {  	v26 =	vadd.f32 v26, v27;
	v37 =	vmul.f32 v22, v11;
	v38 =	vld [tilespmem:s13+$0x8280];
	v30 =	vadd.f32 v33, v6;
	[tilespmem:s0+$0x10230] =	vst v31  }
0x1b7: {  	v27 =	vmul.f32 v18, v14;
	v43 =	vmul.f32 v22, v12;
	v39 =	vld [tilespmem:s13+$0x8210];
	v42 =	vadd.f32 v29, v0;
	[tilespmem:s0+$0x10270] =	vst v32  }
.Ltmp3:
0x1b8: {  	v44 =	vadd.f32 v19, v25;
	v33 =	vmul.f32 v22, v13;
	v32 =	vadd.f32 v37, v6;
	v31 =	vld [tilespmem:s13+$0x8220];
	[tilespmem:s0+$0x102C0] =	vst v28;
	(pc) =	sbr.rel @p0 .LBB2_8-.Ltmp3, $4  }
0x1b9: {  	v41 =	vadd.f32 v35, v3;
	v37 =	vmul.f32 v22, v14;
	v28 =	vadd.f32 v34, v5;
	v34 =	vld [tilespmem:s13+$0x82A0];
	[tilespmem:s0+$0x102B0] =	vst v26  }
0x1ba: {  	v25 =	vmul.f32 v18, v9;
	v40 =	vmul.f32 v22, v8;
	v29 =	vadd.f32 v27, v7;
	v35 =	vld [tilespmem:s13+$0x8200];
	[tilespmem:s0+$0x10290] =	vst v44;
	s0 =	smov.u32 s13  }
0x1bb: {  	v19 =	vmovc v36;
	v27 =	vmul.f32 v18, v10;
	v41 =	vadd.f32 v45, v41;
	v38 =	vadd.f32 v28, v38;
	v28 =	vld [tilespmem:s0+$0x82C0]  }
0x1bc: {  	s3 =	sadd.s32 $0x400, s3;
	v36 =	vmul.f32 v22, v15;
	v42 =	vadd.f32 v39, v42;
	v39 =	vadd.f32 v43, v2;
	v26 =	vld [tilespmem:s0+$0x82B0]  }
0x1bd: {  	[tilespmem:s0+$0x102F0] =	vst v41  }
0x1be: {  	[tilespmem:s0+$0x10280] =	vst v38;
	v9 =	vadd.f32 v31, v32  }
0x1bf: {  	v5 =	vadd.f32 v40, v5;
	[tilespmem:s0+$0x10210] =	vst v42;
	v8 =	vadd.f32 v34, v30  }
0x1c0: {  	v7 =	vadd.f32 v37, v7;
	v11 =	vadd.f32 v23, v39;
	[tilespmem:s0+$0x10220] =	vst v9  }
0x1c1: {  	v0 =	vadd.f32 v25, v0;
	v5 =	vadd.f32 v5, v35;
	[tilespmem:s0+$0x102A0] =	vst v8  }
0x1c2: {  	v56 =	vadd.f32 v33, v4;
	v58 =	vmul.f32 v18, v13;
	v57 =	vadd.f32 v24, v7;
	[tilespmem:s0+$0x10240] =	vst v11  }
0x1c3: {  	v10 =	vmul.f32 v22, v10;
	v3 =	vadd.f32 v36, v3;
	v0 =	vadd.f32 v19, v0;
	[tilespmem:s0+$0x10200] =	vst v5  }
0x1c4: {  	v60 =	vmul.f32 v18, v12;
	v59 =	vadd.f32 v58, v4;
	v8 =	vadd.f32 v21, v56;
	[tilespmem:s0+$0x10260] =	vst v57  }
0x1c5: {  	v6 =	vld [tilespmem:s0+$0x82E0];
	v61 =	vadd.f32 v10, v1;
	v3 =	vadd.f32 v20, v3;
	[tilespmem:s0+$0x10290] =	vst v0  }
0x1c6: {  	v2 =	vadd.f32 v60, v2;
	v4 =	vadd.f32 v17, v59;
	[tilespmem:s0+$0x10250] =	vst v8  }
0x1c7: {  	v63 =	vadd.f32 v27, v1;
	v62 =	vadd.f32 v16, v61;
	[tilespmem:s0+$0x10270] =	vst v3  }
0x1c8: {  	v2 =	vadd.f32 v28, v2;
	[tilespmem:s0+$0x102D0] =	vst v4  }
0x1c9: {  	v1 =	vadd.f32 v26, v63;
	[tilespmem:s0+$0x10230] =	vst v62  }
0x1ca: {  	v6 =	vadd.f32 v6, v29;
	[tilespmem:s0+$0x102C0] =	vst v2  }
0x1cb: {  	[tilespmem:s0+$0x102B0] =	vst v1  }
0x1cc: {  	s22 =	simm.s32 $0x180;
	[tilespmem:s0+$0x102E0] =	vst v6  }
0x1cd: {  	[tilespmem:s24], [sflag:$0x4] =	stream.indirect.gather.add.f32 [hbm:s1], $0x80, s22, s17, $0xb8;
	[tilespmem:$0x12300] =	vst v63  }
0x1ce: {  	_ =	swait.ge [sflag:s25], $0x2000  }
0x1cf: {  	[sflag:s25] =	ssyncset.done $0x0  }
0x1d0: {  	s23 =	simm.s32 $0xA200;
	[sflag:s25] =	ssyncadd.s32 $0xFFFFE000  }
0x1d1: {  	[hbm4b:s6+s4] =	stream.linear.scatter [tilespmem:s23], [sflag:$0x6], $0x2000, $0x38;
	[tilespmem:$0x12300] =	vst v63  }
0x1d2: {  	_ =	swait.ge [sflag:s26], $0x2000  }
0x1d3: {  	[sflag:s26] =	ssyncset.done $0x0  }
0x1d4: {  	[sflag:s26] =	ssyncadd.s32 $0xFFFFE000  }
0x1d5: {  	[hbm4b:s9+s4] =	stream.linear.scatter [tilespmem:s14], [sflag:$0x6], $0x2000, $0x38;
	[tilespmem:$0x12300] =	vst v63  }
0x1d6: {  	_ =	swait.ge [sflag:s28], $0x2000  }
0x1d7: {  	[sflag:s28] =	ssyncset.done $0x0  }
0x1d8: {  	[sflag:s28] =	ssyncadd.s32 $0xFFFFE000  }
0x1d9: {  	[hbm4b:s10+s4] =	stream.linear.scatter [tilespmem:s15], [sflag:$0x6], $0x2000, $0x38;
	[tilespmem:$0x12300] =	vst v63  }
0x1da: {  	_ =	swait.ge [sflag:s29], $0x2000  }
0x1db: {  	[sflag:s29] =	ssyncset.done $0x0  }
0x1dc: {  	[sflag:s29] =	ssyncadd.s32 $0xFFFFE000  }
0x1dd: {  	[hbm4b:s11+s4] =	stream.linear.scatter [tilespmem:s24], [sflag:$0x6], $0x2000, $0x38;
	[tilespmem:$0x12300] =	vst v63  }
0x1de: {  	_ =	swait.ge [sflag:s30], $0x2000  }
0x1df: {  	[sflag:s30] =	ssyncset.done $0x0  }
0x1e0: {  	[sflag:s30] =	ssyncadd.s32 $0xFFFFE000  }
0x1e1: {  	_ =	swait.ge [sflag:s30], $0x2000  }
0x1e2: {  	[sflag:s30] =	ssyncset.done $0x0  }
0x1e3: {  	s31 =	sadd.s32 $0x1, s31;
	[sflag:s30] =	ssyncadd.s32 $0xFFFFE000  }
0x1e4: {  	p0 =	sne.s32 s31, s12;
	_ =	swait.ge [sflag:s30], $0x2000  }
.Ltmp4:
0x1e5: {  	[sflag:s30] =	ssyncset.done $0x0;
	(pc) =	sbr.rel @p0 .LBB2_1-.Ltmp4, $4  }
0x1e6: {  	[sflag:s30] =	ssyncadd.s32 $0xFFFFE000  }
0x1e7: {  	_ =	swait.ge [sflag:s30], $0x2000  }
0x1e8: {  	[sflag:s30] =	ssyncset.done $0x0  }
0x1e9: {  	[sflag:s30] =	ssyncadd.s32 $0xFFFFE000  }
0x1ea: {  	_ =	sfence.sel $0x180000  }
0x1eb: {  	[bflag:$0x0] =	sbarrier.arrive $0xFFFF  }
0x1ec: {  	_ =	strace $0x90000047  }
0x1ed: {  	s0 =	stileid.u32;
	[bflag:$0x2] =	sbarrier.arrive $0xFFFF  }
0x1ee: {  	p0 =	sne.s32 s0, $0x0;
	s0 =	rddreg [dreg:$0x6]  }
0x1ef: {  	s0 =	sadd.s32 @!p0 $0x100000, s0  }
0x1f0: {  	[sflag:s0] =	ssyncadd.tile.s32 @!p0 $0x1;
	_ =	shalt  }
.Lfunc_end2:
_tile_overlayer_lowered:
.L_overlay_start_2:
0x1f1: {  	(tag) =	ssettag $0x2  }
0x1f2: {  	s0 =	rddreg [dreg:$0x0];
	s2 =	stileid.u32  }
0x1f3: {  	s1 =	rddreg [dreg:$0x1];
	p0 =	sne.s32 s2, $0x0  }
0x1f4: {  	s3 =	rddreg [dreg:$0x2];
	[bflag:$0x3] =	sbarrier.arrive $0xFFFF;
	s2 =	simm.s32 @!p0 $0x1C07  }
0x1f5: {  	[timem:s3], [sflag:s2] =	dma.local @!p0 [hbm:s0], s1  }
0x1f6: {  	s0 =	simm.s32 @!p0 $0x7  }
0x1f7: {  	_ =	swait.ge @!p0 [sflag:s0], s1  }
0x1f8: {  	s1 =	ssub.s32 @!p0 $0x0, s1;
	[sflag:s0] =	ssyncset.done @!p0 $0x0  }
0x1f9: {  	[sflag:s0] =	ssyncadd.s32 @!p0 s1  }
0x1fa: {  	[bflag:$0x3] =	sbarrier.arrive $0xFFFF  }
0x1fb: {  	_ =	shalt  }

</sc_bundles>
